<compile_context>
chip_gen: v7x
topology: tpu7x:2x2x1
jax: 0.10.2.dev20260603
libtpu: 0.0.44.dev20260713+nightly
codegen_flags: <defaults>
</compile_context>

<pallas_src>
import jax
import jax.numpy as jnp
from jax import lax
from jax.experimental import pallas as pl
from jax.experimental.pallas import tpu as pltpu
from jax.experimental.pallas import tpu_sc as plsc

N = 10000
IN_DIM = 128
HID = 64

NC = 2
NS = 16
NW = NC * NS
CHUNK = 128
NP = 10112
RPS = NP // NS
DEG_LANES = 8
NBUF = 8

_mesh = plsc.VectorSubcoreMesh(core_axis_name="c", subcore_axis_name="s")
_sc_params = pltpu.CompilerParams(use_tc_tiling_on_sc=False)


def _deg_body(dst_hbm, ones_hbm, zeros_hbm, out_hbm, dst_v, ones_v, acc_sh):
    c = lax.axis_index("c")
    s = lax.axis_index("s")
    wid = c * NS + s
    nch = dst_hbm.shape[1]
    pltpu.sync_copy(dst_hbm.at[wid], dst_v)
    pltpu.sync_copy(ones_hbm, ones_v)
    r0 = s * RPS
    pltpu.sync_copy(zeros_hbm, acc_sh.at[pl.ds(r0, RPS)])
    plsc.subcore_barrier()

    def body(j, carry):
        pltpu.sync_copy(ones_v, acc_sh.at[dst_v.at[j]], add=True)
        return carry

    lax.fori_loop(0, nch, body, 0)
    plsc.subcore_barrier()
    pltpu.sync_copy(acc_sh.at[pl.ds(r0, RPS)], out_hbm.at[c].at[pl.ds(r0, RPS)])


def _agg_body(src_hbm, dst_hbm, g_hbm, zeros_hbm, out_hbm,
              src_v, dst_v, buf_v, acc_sh, *sems):
    c = lax.axis_index("c")
    s = lax.axis_index("s")
    wid = c * NS + s
    nch = src_hbm.shape[1]
    pltpu.sync_copy(src_hbm.at[wid], src_v)
    pltpu.sync_copy(dst_hbm.at[wid], dst_v)
    r0 = s * RPS

    @pl.when(c == 0)
    def _():
        pltpu.sync_copy(g_hbm.at[pl.ds(r0, RPS)], acc_sh.at[pl.ds(r0, RPS)])

    @pl.when(c != 0)
    def _():
        pltpu.sync_copy(zeros_hbm, acc_sh.at[pl.ds(r0, RPS)])

    plsc.subcore_barrier()

    for b in range(NBUF):
        pltpu.async_copy(g_hbm.at[src_v.at[b]], buf_v.at[b], sems[b])

    ngrp = nch // NBUF

    def grp(t, carry):
        j0 = t * NBUF
        for b in range(NBUF):
            j = j0 + b
            pltpu.make_async_copy(g_hbm.at[src_v.at[j]], buf_v.at[b],
                                  sems[b]).wait()
            pltpu.sync_copy(buf_v.at[b], acc_sh.at[dst_v.at[j]], add=True)
            pltpu.async_copy(g_hbm.at[src_v.at[j + NBUF]], buf_v.at[b],
                             sems[b])
        return carry

    lax.fori_loop(0, ngrp - 1, grp, 0)
    j0 = (ngrp - 1) * NBUF
    for b in range(NBUF):
        j = j0 + b
        pltpu.make_async_copy(g_hbm.at[src_v.at[j]], buf_v.at[b],
                              sems[b]).wait()
        pltpu.sync_copy(buf_v.at[b], acc_sh.at[dst_v.at[j]], add=True)

    plsc.subcore_barrier()
    pltpu.sync_copy(acc_sh.at[pl.ds(r0, RPS)], out_hbm.at[c].at[pl.ds(r0, RPS)])


def _mm_body(x_ref, w_ref, h_ref):
    h_ref[...] = jnp.dot(x_ref[...], w_ref[...],
                         preferred_element_type=jnp.float32)


def _dinv(degp):
    deg = degp[0, :, 0] + degp[1, :, 0] + 1.0
    return lax.rsqrt(deg)


def _scale_body(h_ref, degp_hbm, g_hbm, degp_v, g_v, sem1, sem2):
    pltpu.async_copy(degp_hbm, degp_v, sem1).wait()
    g_v[...] = h_ref[...] * _dinv(degp_v[...])[:, None]
    pltpu.async_copy(g_v, g_hbm, sem2).wait()


def _fin_body(accp_hbm, degp_hbm, b_ref, gam_ref, bet_ref, out_ref,
              accp_v, degp_v, sem1, sem2):
    cp1 = pltpu.async_copy(accp_hbm, accp_v, sem1)
    cp2 = pltpu.async_copy(degp_hbm, degp_v, sem2)
    cp1.wait()
    cp2.wait()
    dinv = _dinv(degp_v[...])
    accp = accp_v[...]
    v = (accp[0] + accp[1]) * dinv[:, None] + b_ref[0]
    mu = jnp.mean(v, axis=1, keepdims=True)
    var = jnp.mean((v - mu) ** 2, axis=1, keepdims=True)
    y = (v - mu) * lax.rsqrt(var + 1e-5) * gam_ref[0] + bet_ref[0]
    out_ref[...] = jnp.maximum(y[:N], 0.0)


def kernel(x, ei, W, b, ln_gamma, ln_beta):
    E = ei.shape[1]
    src = ei[0].astype(jnp.int32)
    dst = ei[1].astype(jnp.int32)

    nch = -(-E // (NW * CHUNK))
    nch = -(-nch // NBUF) * NBUF
    EW = nch * CHUNK
    E2 = -(-E // NW) * NW
    src_a = jnp.concatenate([src, jnp.zeros((E2 - E,), jnp.int32)])
    dst_a = jnp.concatenate(
        [dst, N + jnp.arange(E2 - E, dtype=jnp.int32) % (NP - N)])
    per = E2 // NW
    padw = EW - per
    pad_src = (jnp.arange(NW * padw, dtype=jnp.int32) % N).reshape(NW, padw)
    pad_dst = (N + jnp.arange(NW * padw, dtype=jnp.int32) % (NP - N)
               ).reshape(NW, padw)
    src3 = jnp.concatenate([src_a.reshape(NW, per), pad_src],
                           axis=1).reshape(NW, nch, CHUNK)
    dst3 = jnp.concatenate([dst_a.reshape(NW, per), pad_dst],
                           axis=1).reshape(NW, nch, CHUNK)

    ones_chunk = jnp.ones((CHUNK, DEG_LANES), jnp.float32)
    zeros_deg = jnp.zeros((RPS, DEG_LANES), jnp.float32)
    zeros_acc = jnp.zeros((RPS, HID), jnp.float32)

    deg_call = pl.kernel(
        _deg_body, mesh=_mesh, compiler_params=_sc_params,
        out_type=jax.ShapeDtypeStruct((NC, NP, DEG_LANES), jnp.float32),
        scratch_types=[
            pltpu.VMEM((nch, CHUNK), jnp.int32),
            pltpu.VMEM((CHUNK, DEG_LANES), jnp.float32),
            pltpu.VMEM_SHARED((NP, DEG_LANES), jnp.float32),
        ],
    )
    degp = deg_call(dst3, ones_chunk, zeros_deg)

    BR = 1000
    h = pl.pallas_call(
        _mm_body,
        grid=(N // BR,),
        in_specs=[
            pl.BlockSpec((BR, IN_DIM), lambda i: (i, 0)),
            pl.BlockSpec((IN_DIM, HID), lambda i: (0, 0)),
        ],
        out_specs=pl.BlockSpec((BR, HID), lambda i: (i, 0)),
        out_shape=jax.ShapeDtypeStruct((NP, HID), jnp.float32),
    )(x, W)

    g = pl.pallas_call(
        _scale_body,
        in_specs=[
            pl.BlockSpec((NP, HID), lambda: (0, 0)),
            pl.BlockSpec(memory_space=pl.ANY),
        ],
        out_specs=pl.BlockSpec(memory_space=pl.ANY),
        out_shape=jax.ShapeDtypeStruct((NP, HID), jnp.float32),
        scratch_shapes=[
            pltpu.VMEM((NC, NP, DEG_LANES), jnp.float32),
            pltpu.VMEM((NP, HID), jnp.float32),
            pltpu.SemaphoreType.DMA,
            pltpu.SemaphoreType.DMA,
        ],
    )(h, degp)

    agg_call = pl.kernel(
        _agg_body, mesh=_mesh, compiler_params=_sc_params,
        out_type=jax.ShapeDtypeStruct((NC, NP, HID), jnp.float32),
        scratch_types=[
            pltpu.VMEM((nch, CHUNK), jnp.int32),
            pltpu.VMEM((nch, CHUNK), jnp.int32),
            pltpu.VMEM((NBUF, CHUNK, HID), jnp.float32),
            pltpu.VMEM_SHARED((NP, HID), jnp.float32),
        ] + [pltpu.SemaphoreType.DMA] * NBUF,
    )
    accp = agg_call(src3, dst3, g, zeros_acc)

    out = pl.pallas_call(
        _fin_body,
        in_specs=[
            pl.BlockSpec(memory_space=pl.ANY),
            pl.BlockSpec(memory_space=pl.ANY),
            pl.BlockSpec((1, HID), lambda: (0, 0)),
            pl.BlockSpec((1, HID), lambda: (0, 0)),
            pl.BlockSpec((1, HID), lambda: (0, 0)),
        ],
        out_specs=pl.BlockSpec((N, HID), lambda: (0, 0)),
        out_shape=jax.ShapeDtypeStruct((N, HID), jnp.float32),
        scratch_shapes=[
            pltpu.VMEM((NC, NP, HID), jnp.float32),
            pltpu.VMEM((NC, NP, DEG_LANES), jnp.float32),
            pltpu.SemaphoreType.DMA,
            pltpu.SemaphoreType.DMA,
        ],
    )(accp, degp, b.reshape(1, HID), ln_gamma.reshape(1, HID),
      ln_beta.reshape(1, HID))
    return out

# --- scband reference (transcript-rebuilt; emitter-appended) ---
"""Pipeline reference for scband-gcn-48661979464167 (READ-ONLY COPY).

The authoritative reference and input builder live on the scoring server;
editing this copy changes nothing except your own understanding.
"""

import jax, jax.numpy as jnp
import numpy as np

N_NODES = 10000
IN_DIM = 128
HIDDEN = 64
N_EDGES = 320000


def setup_inputs(seed: int = 0) -> dict:
    key = jax.random.key(seed)
    k1, k2, k3, k4 = jax.random.split(key, 4)
    x = jax.random.normal(k1, (N_NODES, IN_DIM), dtype=jnp.float32)
    ei = jax.random.randint(k2, (2, N_EDGES), 0, N_NODES, dtype=jnp.int64)
    # GCNConv params (glorot-like init for W, zeros bias)
    W = jax.random.normal(k3, (IN_DIM, HIDDEN), dtype=jnp.float32) * (1.0 / np.sqrt(IN_DIM))
    b = jnp.zeros((HIDDEN,), dtype=jnp.float32)
    # LayerNorm params
    ln_gamma = jnp.ones((HIDDEN,), dtype=jnp.float32)
    ln_beta = jnp.zeros((HIDDEN,), dtype=jnp.float32)
    return {"x": x, "ei": ei, "W": W, "b": b, "ln_gamma": ln_gamma, "ln_beta": ln_beta}


def _gcn_conv(x, ei, W, b):
    N = x.shape[0]
    # add self-loops (PyG GCNConv default)
    loop = jnp.arange(N, dtype=ei.dtype)
    src = jnp.concatenate([ei[0], loop])
    dst = jnp.concatenate([ei[1], loop])
    # linear transform first
    h = x @ W
    # symmetric normalization deg^{-1/2}
    deg = jnp.zeros((N,), dtype=h.dtype).at[dst].add(1.0)
    dinv = jnp.where(deg > 0, jax.lax.rsqrt(deg), 0.0)
    norm = dinv[src] * dinv[dst]
    # gather messages, scale, scatter-add to destination nodes
    msg = h[src] * norm[:, None]
    out = jnp.zeros((N, h.shape[1]), dtype=h.dtype).at[dst].add(msg)
    return out + b


def _layer_norm(x, gamma, beta, eps=1e-5):
    mu = jnp.mean(x, axis=-1, keepdims=True)
    var = jnp.mean((x - mu) ** 2, axis=-1, keepdims=True)
    return (x - mu) * jax.lax.rsqrt(var + eps) * gamma + beta


def reference(x, ei, W, b, ln_gamma, ln_beta):
    h = _gcn_conv(x, ei, W, b)
    h = _layer_norm(h, ln_gamma, ln_beta)
    # Dropout in eval mode -> identity
    return jax.nn.relu(h)

if __name__ == "__main__":
    import jax
    _d = setup_inputs()
    print(jax.jit(kernel)(*tuple(_d.values())))

</pallas_src>

<mosaic_0001>
#map = affine_map<(d0, d1) -> (0, 0, 0)>
#map1 = affine_map<(d0, d1) -> (0, 0)>
module attributes {stable_mosaic.version = 14 : i64} {
  func.func @_deg_body(%arg0: i32, %arg1: i32, %arg2: memref<32x80x128xi32, #tpu.memory_space<hbm>>, %arg3: memref<128x8xf32, #tpu.memory_space<hbm>>, %arg4: memref<632x8xf32, #tpu.memory_space<hbm>>, %arg5: memref<2x10112x8xf32, #tpu.memory_space<hbm>>, %arg6: memref<80x128xi32, #tpu.memory_space<vmem>>, %arg7: memref<128x8xf32, #tpu.memory_space<vmem>>, %arg8: memref<10112x8xf32, #tpu.memory_space<vmem_shared>>) attributes {dimension_semantics = [#tpu.dimension_semantics<core_parallel>, #tpu.dimension_semantics<subcore_parallel>], iteration_bounds = array<i64: 2, 16>, scalar_prefetch = 0 : i64, scratch_operands = 3 : i64, tpu.core_type = #tpu.core_type<sc_vector_subcore>, window_params = [{transform_indices = #map}, {transform_indices = #map1}, {transform_indices = #map1}, {transform_indices = #map}]} {
    %mul3A = arith.constant 16 : i32
    %mul3A_0 = arith.muli %arg0, %mul3A : i32
    %add3A = arith.addi %mul3A_0, %arg1 : i32
    "tpu.region"() ({
      %run_scoped3A = tpu.sem_alloc : memref<!tpu.dma_semaphore, #tpu.memory_space<semaphore_mem>>
      %dma_start3A = arith.constant 0 : i32
      %dma_start3A_9 = arith.constant 0 : i32
      %dma_start3A_10 = tpu.memref_slice %arg2[%add3A, %dma_start3A, %dma_start3A_9] : memref<32x80x128xi32, #tpu.memory_space<hbm>> -> memref<1x80x128xi32, #tpu.memory_space<hbm>>
      %dma_start3A_11 = tpu.memref_squeeze %dma_start3A_10 : memref<1x80x128xi32, #tpu.memory_space<hbm>> -> memref<80x128xi32, #tpu.memory_space<hbm>>
      %dma_start3A_12 = arith.constant 0 : i32
      %dma_start3A_13 = arith.constant 0 : i32
      %dma_start3A_14 = tpu.memref_slice %arg2[%add3A, %dma_start3A_12, %dma_start3A_13] : memref<32x80x128xi32, #tpu.memory_space<hbm>> -> memref<1x80x128xi32, #tpu.memory_space<hbm>>
      %dma_start3A_15 = tpu.memref_squeeze %dma_start3A_14 : memref<1x80x128xi32, #tpu.memory_space<hbm>> -> memref<80x128xi32, #tpu.memory_space<hbm>>
      tpu.enqueue_dma source(%dma_start3A_15 : memref<80x128xi32, #tpu.memory_space<hbm>>) target(%arg6 : memref<80x128xi32, #tpu.memory_space<vmem>>) target_semaphore(%run_scoped3A : memref<!tpu.dma_semaphore, #tpu.memory_space<semaphore_mem>>)
      %dma_wait3A = arith.constant 0 : i32
      %dma_wait3A_16 = arith.constant 0 : i32
      %dma_wait3A_17 = tpu.memref_slice %arg2[%add3A, %dma_wait3A, %dma_wait3A_16] : memref<32x80x128xi32, #tpu.memory_space<hbm>> -> memref<1x80x128xi32, #tpu.memory_space<hbm>>
      %dma_wait3A_18 = tpu.memref_squeeze %dma_wait3A_17 : memref<1x80x128xi32, #tpu.memory_space<hbm>> -> memref<80x128xi32, #tpu.memory_space<hbm>>
      %dma_wait3A_19 = arith.constant 0 : i32
      %dma_wait3A_20 = arith.constant 0 : i32
      %dma_wait3A_21 = tpu.memref_slice %arg2[%add3A, %dma_wait3A_19, %dma_wait3A_20] : memref<32x80x128xi32, #tpu.memory_space<hbm>> -> memref<1x80x128xi32, #tpu.memory_space<hbm>>
      %dma_wait3A_22 = tpu.memref_squeeze %dma_wait3A_21 : memref<1x80x128xi32, #tpu.memory_space<hbm>> -> memref<80x128xi32, #tpu.memory_space<hbm>>
      tpu.wait_dma2 semaphore(%run_scoped3A : memref<!tpu.dma_semaphore, #tpu.memory_space<semaphore_mem>>) src(%dma_wait3A_22 : memref<80x128xi32, #tpu.memory_space<hbm>>) dst(%arg6 : memref<80x128xi32, #tpu.memory_space<vmem>>)
      tpu.yield
    }) : () -> ()
    "tpu.region"() ({
      %run_scoped3A = tpu.sem_alloc : memref<!tpu.dma_semaphore, #tpu.memory_space<semaphore_mem>>
      tpu.enqueue_dma source(%arg3 : memref<128x8xf32, #tpu.memory_space<hbm>>) target(%arg7 : memref<128x8xf32, #tpu.memory_space<vmem>>) target_semaphore(%run_scoped3A : memref<!tpu.dma_semaphore, #tpu.memory_space<semaphore_mem>>)
      tpu.wait_dma2 semaphore(%run_scoped3A : memref<!tpu.dma_semaphore, #tpu.memory_space<semaphore_mem>>) src(%arg3 : memref<128x8xf32, #tpu.memory_space<hbm>>) dst(%arg7 : memref<128x8xf32, #tpu.memory_space<vmem>>)
      tpu.yield
    }) : () -> ()
    %mul3A_1 = arith.constant 632 : i32
    %mul3A_2 = arith.muli %arg1, %mul3A_1 : i32
    "tpu.region"() ({
      %run_scoped3A = tpu.sem_alloc : memref<!tpu.dma_semaphore, #tpu.memory_space<semaphore_mem>>
      %dma_start3A = arith.constant 0 : i32
      %dma_start3A_9 = tpu.memref_slice %arg8[%mul3A_2, %dma_start3A] : memref<10112x8xf32, #tpu.memory_space<vmem_shared>> -> memref<632x8xf32, #tpu.memory_space<vmem_shared>>
      tpu.enqueue_dma source(%arg4 : memref<632x8xf32, #tpu.memory_space<hbm>>) target(%dma_start3A_9 : memref<632x8xf32, #tpu.memory_space<vmem_shared>>) target_semaphore(%run_scoped3A : memref<!tpu.dma_semaphore, #tpu.memory_space<semaphore_mem>>)
      %dma_wait3A = arith.constant 0 : i32
      %dma_wait3A_10 = tpu.memref_slice %arg8[%mul3A_2, %dma_wait3A] : memref<10112x8xf32, #tpu.memory_space<vmem_shared>> -> memref<632x8xf32, #tpu.memory_space<vmem_shared>>
      tpu.wait_dma2 semaphore(%run_scoped3A : memref<!tpu.dma_semaphore, #tpu.memory_space<semaphore_mem>>) src(%arg4 : memref<632x8xf32, #tpu.memory_space<hbm>>) dst(%dma_wait3A_10 : memref<632x8xf32, #tpu.memory_space<vmem_shared>>)
      tpu.yield
    }) : () -> ()
    %barrier3A = arith.constant 0 : index
    tpu.barrier barrier_id(%barrier3A)
    %scan3A = arith.constant 0 : i32
    %scan3A_3 = arith.constant 0 : i32
    %scan3A_4 = arith.constant 80 : i32
    %scan3A_5 = arith.addi %scan3A_3, %scan3A_4 : i32
    %scan3A_6 = arith.constant 1 : i32
    scf.for %scan3A_9 = %scan3A_3 to %scan3A_5 step %scan3A_6  : i32 {
      "tpu.region"() ({
        %run_scoped3A = tpu.sem_alloc : memref<!tpu.dma_semaphore, #tpu.memory_space<semaphore_mem>>
        %dma_start3A = arith.constant 0 : i32
        %dma_start3A_10 = tpu.memref_slice %arg6[%scan3A_9, %dma_start3A] : memref<80x128xi32, #tpu.memory_space<vmem>> -> memref<1x128xi32, #tpu.memory_space<vmem>>
        %dma_start3A_11 = tpu.memref_squeeze %dma_start3A_10 : memref<1x128xi32, #tpu.memory_space<vmem>> -> memref<128xi32, #tpu.memory_space<vmem>>
        %dma_start3A_12 = arith.constant 0 : i32
        %dma_start3A_13 = arith.constant 0 : i32
        %dma_start3A_14 = tpu.memref_slice %arg8[%dma_start3A_12, %dma_start3A_13] : memref<10112x8xf32, #tpu.memory_space<vmem_shared>> -> memref<10112x8xf32, #tpu.memory_space<vmem_shared>>
        tpu.enqueue_indirect_dma source(%arg7 : memref<128x8xf32, #tpu.memory_space<vmem>>) target(%dma_start3A_14 : memref<10112x8xf32, #tpu.memory_space<vmem_shared>>) offsets(%dma_start3A_11 : memref<128xi32, #tpu.memory_space<vmem>>) semaphore(%run_scoped3A : memref<!tpu.dma_semaphore, #tpu.memory_space<semaphore_mem>>) {add = true}
        %dma_wait3A = arith.constant 0 : i32
        %dma_wait3A_15 = tpu.memref_slice %arg6[%scan3A_9, %dma_wait3A] : memref<80x128xi32, #tpu.memory_space<vmem>> -> memref<1x128xi32, #tpu.memory_space<vmem>>
        %dma_wait3A_16 = tpu.memref_squeeze %dma_wait3A_15 : memref<1x128xi32, #tpu.memory_space<vmem>> -> memref<128xi32, #tpu.memory_space<vmem>>
        %dma_wait3A_17 = arith.constant 0 : i32
        %dma_wait3A_18 = arith.constant 0 : i32
        %dma_wait3A_19 = tpu.memref_slice %arg8[%dma_wait3A_17, %dma_wait3A_18] : memref<10112x8xf32, #tpu.memory_space<vmem_shared>> -> memref<10112x8xf32, #tpu.memory_space<vmem_shared>>
        tpu.wait_indirect_dma semaphore(%run_scoped3A : memref<!tpu.dma_semaphore, #tpu.memory_space<semaphore_mem>>) src(%arg7 : memref<128x8xf32, #tpu.memory_space<vmem>>) dst(%dma_wait3A_19 : memref<10112x8xf32, #tpu.memory_space<vmem_shared>>)
        tpu.yield
      }) : () -> ()
    }
    %scan3A_7 = arith.constant 80 : i32
    %barrier3A_8 = arith.constant 0 : index
    tpu.barrier barrier_id(%barrier3A_8)
    "tpu.region"() ({
      %run_scoped3A = tpu.sem_alloc : memref<!tpu.dma_semaphore, #tpu.memory_space<semaphore_mem>>
      %dma_start3A = arith.constant 0 : i32
      %dma_start3A_9 = arith.constant 0 : i32
      %dma_start3A_10 = tpu.memref_slice %arg5[%arg0, %dma_start3A, %dma_start3A_9] : memref<2x10112x8xf32, #tpu.memory_space<hbm>> -> memref<1x10112x8xf32, #tpu.memory_space<hbm>>
      %dma_start3A_11 = tpu.memref_squeeze %dma_start3A_10 : memref<1x10112x8xf32, #tpu.memory_space<hbm>> -> memref<10112x8xf32, #tpu.memory_space<hbm>>
      %dma_start3A_12 = arith.constant 0 : i32
      %dma_start3A_13 = tpu.memref_slice %dma_start3A_11[%mul3A_2, %dma_start3A_12] : memref<10112x8xf32, #tpu.memory_space<hbm>> -> memref<632x8xf32, #tpu.memory_space<hbm>>
      %dma_start3A_14 = arith.constant 0 : i32
      %dma_start3A_15 = tpu.memref_slice %arg8[%mul3A_2, %dma_start3A_14] : memref<10112x8xf32, #tpu.memory_space<vmem_shared>> -> memref<632x8xf32, #tpu.memory_space<vmem_shared>>
      tpu.enqueue_dma source(%dma_start3A_15 : memref<632x8xf32, #tpu.memory_space<vmem_shared>>) target(%dma_start3A_13 : memref<632x8xf32, #tpu.memory_space<hbm>>) target_semaphore(%run_scoped3A : memref<!tpu.dma_semaphore, #tpu.memory_space<semaphore_mem>>)
      %dma_wait3A = arith.constant 0 : i32
      %dma_wait3A_16 = arith.constant 0 : i32
      %dma_wait3A_17 = tpu.memref_slice %arg5[%arg0, %dma_wait3A, %dma_wait3A_16] : memref<2x10112x8xf32, #tpu.memory_space<hbm>> -> memref<1x10112x8xf32, #tpu.memory_space<hbm>>
      %dma_wait3A_18 = tpu.memref_squeeze %dma_wait3A_17 : memref<1x10112x8xf32, #tpu.memory_space<hbm>> -> memref<10112x8xf32, #tpu.memory_space<hbm>>
      %dma_wait3A_19 = arith.constant 0 : i32
      %dma_wait3A_20 = tpu.memref_slice %dma_wait3A_18[%mul3A_2, %dma_wait3A_19] : memref<10112x8xf32, #tpu.memory_space<hbm>> -> memref<632x8xf32, #tpu.memory_space<hbm>>
      %dma_wait3A_21 = arith.constant 0 : i32
      %dma_wait3A_22 = tpu.memref_slice %arg8[%mul3A_2, %dma_wait3A_21] : memref<10112x8xf32, #tpu.memory_space<vmem_shared>> -> memref<632x8xf32, #tpu.memory_space<vmem_shared>>
      tpu.wait_dma2 semaphore(%run_scoped3A : memref<!tpu.dma_semaphore, #tpu.memory_space<semaphore_mem>>) src(%dma_wait3A_22 : memref<632x8xf32, #tpu.memory_space<vmem_shared>>) dst(%dma_wait3A_20 : memref<632x8xf32, #tpu.memory_space<hbm>>)
      tpu.yield
    }) : () -> ()
    return
  }
}

#map = affine_map<(d0, d1) -> (0, 0, 0)>
#map1 = affine_map<(d0, d1) -> (0, 0)>
module attributes {stable_mosaic.version = 14 : i64} {
  func.func @_agg_body(%arg0: i32, %arg1: i32, %arg2: memref<32x80x128xi32, #tpu.memory_space<hbm>>, %arg3: memref<32x80x128xi32, #tpu.memory_space<hbm>>, %arg4: memref<10112x64xf32, #tpu.memory_space<hbm>>, %arg5: memref<632x64xf32, #tpu.memory_space<hbm>>, %arg6: memref<2x10112x64xf32, #tpu.memory_space<hbm>>, %arg7: memref<80x128xi32, #tpu.memory_space<vmem>>, %arg8: memref<80x128xi32, #tpu.memory_space<vmem>>, %arg9: memref<8x128x64xf32, #tpu.memory_space<vmem>>, %arg10: memref<10112x64xf32, #tpu.memory_space<vmem_shared>>, %arg11: memref<!tpu.dma_semaphore, #tpu.memory_space<semaphore_mem>>, %arg12: memref<!tpu.dma_semaphore, #tpu.memory_space<semaphore_mem>>, %arg13: memref<!tpu.dma_semaphore, #tpu.memory_space<semaphore_mem>>, %arg14: memref<!tpu.dma_semaphore, #tpu.memory_space<semaphore_mem>>, %arg15: memref<!tpu.dma_semaphore, #tpu.memory_space<semaphore_mem>>, %arg16: memref<!tpu.dma_semaphore, #tpu.memory_space<semaphore_mem>>, %arg17: memref<!tpu.dma_semaphore, #tpu.memory_space<semaphore_mem>>, %arg18: memref<!tpu.dma_semaphore, #tpu.memory_space<semaphore_mem>>) attributes {dimension_semantics = [#tpu.dimension_semantics<core_parallel>, #tpu.dimension_semantics<subcore_parallel>], iteration_bounds = array<i64: 2, 16>, scalar_prefetch = 0 : i64, scratch_operands = 12 : i64, tpu.core_type = #tpu.core_type<sc_vector_subcore>, window_params = [{transform_indices = #map}, {transform_indices = #map}, {transform_indices = #map1}, {transform_indices = #map1}, {transform_indices = #map}]} {
    %mul3A = arith.constant 16 : i32
    %mul3A_0 = arith.muli %arg0, %mul3A : i32
    %add3A = arith.addi %mul3A_0, %arg1 : i32
    "tpu.region"() ({
      %run_scoped3A_220 = tpu.sem_alloc : memref<!tpu.dma_semaphore, #tpu.memory_space<semaphore_mem>>
      %dma_start3A_221 = arith.constant 0 : i32
      %dma_start3A_222 = arith.constant 0 : i32
      %dma_start3A_223 = tpu.memref_slice %arg2[%add3A, %dma_start3A_221, %dma_start3A_222] : memref<32x80x128xi32, #tpu.memory_space<hbm>> -> memref<1x80x128xi32, #tpu.memory_space<hbm>>
      %dma_start3A_224 = tpu.memref_squeeze %dma_start3A_223 : memref<1x80x128xi32, #tpu.memory_space<hbm>> -> memref<80x128xi32, #tpu.memory_space<hbm>>
      %dma_start3A_225 = arith.constant 0 : i32
      %dma_start3A_226 = arith.constant 0 : i32
      %dma_start3A_227 = tpu.memref_slice %arg2[%add3A, %dma_start3A_225, %dma_start3A_226] : memref<32x80x128xi32, #tpu.memory_space<hbm>> -> memref<1x80x128xi32, #tpu.memory_space<hbm>>
      %dma_start3A_228 = tpu.memref_squeeze %dma_start3A_227 : memref<1x80x128xi32, #tpu.memory_space<hbm>> -> memref<80x128xi32, #tpu.memory_space<hbm>>
      tpu.enqueue_dma source(%dma_start3A_228 : memref<80x128xi32, #tpu.memory_space<hbm>>) target(%arg7 : memref<80x128xi32, #tpu.memory_space<vmem>>) target_semaphore(%run_scoped3A_220 : memref<!tpu.dma_semaphore, #tpu.memory_space<semaphore_mem>>)
      %dma_wait3A_229 = arith.constant 0 : i32
      %dma_wait3A_230 = arith.constant 0 : i32
      %dma_wait3A_231 = tpu.memref_slice %arg2[%add3A, %dma_wait3A_229, %dma_wait3A_230] : memref<32x80x128xi32, #tpu.memory_space<hbm>> -> memref<1x80x128xi32, #tpu.memory_space<hbm>>
      %dma_wait3A_232 = tpu.memref_squeeze %dma_wait3A_231 : memref<1x80x128xi32, #tpu.memory_space<hbm>> -> memref<80x128xi32, #tpu.memory_space<hbm>>
      %dma_wait3A_233 = arith.constant 0 : i32
      %dma_wait3A_234 = arith.constant 0 : i32
      %dma_wait3A_235 = tpu.memref_slice %arg2[%add3A, %dma_wait3A_233, %dma_wait3A_234] : memref<32x80x128xi32, #tpu.memory_space<hbm>> -> memref<1x80x128xi32, #tpu.memory_space<hbm>>
      %dma_wait3A_236 = tpu.memref_squeeze %dma_wait3A_235 : memref<1x80x128xi32, #tpu.memory_space<hbm>> -> memref<80x128xi32, #tpu.memory_space<hbm>>
      tpu.wait_dma2 semaphore(%run_scoped3A_220 : memref<!tpu.dma_semaphore, #tpu.memory_space<semaphore_mem>>) src(%dma_wait3A_236 : memref<80x128xi32, #tpu.memory_space<hbm>>) dst(%arg7 : memref<80x128xi32, #tpu.memory_space<vmem>>)
      tpu.yield
    }) : () -> ()
    "tpu.region"() ({
      %run_scoped3A_220 = tpu.sem_alloc : memref<!tpu.dma_semaphore, #tpu.memory_space<semaphore_mem>>
      %dma_start3A_221 = arith.constant 0 : i32
      %dma_start3A_222 = arith.constant 0 : i32
      %dma_start3A_223 = tpu.memref_slice %arg3[%add3A, %dma_start3A_221, %dma_start3A_222] : memref<32x80x128xi32, #tpu.memory_space<hbm>> -> memref<1x80x128xi32, #tpu.memory_space<hbm>>
      %dma_start3A_224 = tpu.memref_squeeze %dma_start3A_223 : memref<1x80x128xi32, #tpu.memory_space<hbm>> -> memref<80x128xi32, #tpu.memory_space<hbm>>
      %dma_start3A_225 = arith.constant 0 : i32
      %dma_start3A_226 = arith.constant 0 : i32
      %dma_start3A_227 = tpu.memref_slice %arg3[%add3A, %dma_start3A_225, %dma_start3A_226] : memref<32x80x128xi32, #tpu.memory_space<hbm>> -> memref<1x80x128xi32, #tpu.memory_space<hbm>>
      %dma_start3A_228 = tpu.memref_squeeze %dma_start3A_227 : memref<1x80x128xi32, #tpu.memory_space<hbm>> -> memref<80x128xi32, #tpu.memory_space<hbm>>
      tpu.enqueue_dma source(%dma_start3A_228 : memref<80x128xi32, #tpu.memory_space<hbm>>) target(%arg8 : memref<80x128xi32, #tpu.memory_space<vmem>>) target_semaphore(%run_scoped3A_220 : memref<!tpu.dma_semaphore, #tpu.memory_space<semaphore_mem>>)
      %dma_wait3A_229 = arith.constant 0 : i32
      %dma_wait3A_230 = arith.constant 0 : i32
      %dma_wait3A_231 = tpu.memref_slice %arg3[%add3A, %dma_wait3A_229, %dma_wait3A_230] : memref<32x80x128xi32, #tpu.memory_space<hbm>> -> memref<1x80x128xi32, #tpu.memory_space<hbm>>
      %dma_wait3A_232 = tpu.memref_squeeze %dma_wait3A_231 : memref<1x80x128xi32, #tpu.memory_space<hbm>> -> memref<80x128xi32, #tpu.memory_space<hbm>>
      %dma_wait3A_233 = arith.constant 0 : i32
      %dma_wait3A_234 = arith.constant 0 : i32
      %dma_wait3A_235 = tpu.memref_slice %arg3[%add3A, %dma_wait3A_233, %dma_wait3A_234] : memref<32x80x128xi32, #tpu.memory_space<hbm>> -> memref<1x80x128xi32, #tpu.memory_space<hbm>>
      %dma_wait3A_236 = tpu.memref_squeeze %dma_wait3A_235 : memref<1x80x128xi32, #tpu.memory_space<hbm>> -> memref<80x128xi32, #tpu.memory_space<hbm>>
      tpu.wait_dma2 semaphore(%run_scoped3A_220 : memref<!tpu.dma_semaphore, #tpu.memory_space<semaphore_mem>>) src(%dma_wait3A_236 : memref<80x128xi32, #tpu.memory_space<hbm>>) dst(%arg8 : memref<80x128xi32, #tpu.memory_space<vmem>>)
      tpu.yield
    }) : () -> ()
    %mul3A_1 = arith.constant 632 : i32
    %mul3A_2 = arith.muli %arg1, %mul3A_1 : i32
    %eq3A = arith.constant 0 : i32
    %eq3A_3 = arith.cmpi eq, %arg0, %eq3A : i32
    %convert_element_type3A = arith.extui %eq3A_3 : i1 to i32
    %cond3A = arith.constant 0 : i32
    %cond3A_4 = arith.cmpi ne, %convert_element_type3A, %cond3A : i32
    scf.if %cond3A_4 {
      "tpu.region"() ({
        %run_scoped3A_220 = tpu.sem_alloc : memref<!tpu.dma_semaphore, #tpu.memory_space<semaphore_mem>>
        %dma_start3A_221 = arith.constant 0 : i32
        %dma_start3A_222 = tpu.memref_slice %arg10[%mul3A_2, %dma_start3A_221] : memref<10112x64xf32, #tpu.memory_space<vmem_shared>> -> memref<632x64xf32, #tpu.memory_space<vmem_shared>>
        %dma_start3A_223 = arith.constant 0 : i32
        %dma_start3A_224 = tpu.memref_slice %arg4[%mul3A_2, %dma_start3A_223] : memref<10112x64xf32, #tpu.memory_space<hbm>> -> memref<632x64xf32, #tpu.memory_space<hbm>>
        tpu.enqueue_dma source(%dma_start3A_224 : memref<632x64xf32, #tpu.memory_space<hbm>>) target(%dma_start3A_222 : memref<632x64xf32, #tpu.memory_space<vmem_shared>>) target_semaphore(%run_scoped3A_220 : memref<!tpu.dma_semaphore, #tpu.memory_space<semaphore_mem>>)
        %dma_wait3A_225 = arith.constant 0 : i32
        %dma_wait3A_226 = tpu.memref_slice %arg10[%mul3A_2, %dma_wait3A_225] : memref<10112x64xf32, #tpu.memory_space<vmem_shared>> -> memref<632x64xf32, #tpu.memory_space<vmem_shared>>
        %dma_wait3A_227 = arith.constant 0 : i32
        %dma_wait3A_228 = tpu.memref_slice %arg4[%mul3A_2, %dma_wait3A_227] : memref<10112x64xf32, #tpu.memory_space<hbm>> -> memref<632x64xf32, #tpu.memory_space<hbm>>
        tpu.wait_dma2 semaphore(%run_scoped3A_220 : memref<!tpu.dma_semaphore, #tpu.memory_space<semaphore_mem>>) src(%dma_wait3A_228 : memref<632x64xf32, #tpu.memory_space<hbm>>) dst(%dma_wait3A_226 : memref<632x64xf32, #tpu.memory_space<vmem_shared>>)
        tpu.yield
      }) : () -> ()
    } else {
    }
    %ne3A = arith.constant 0 : i32
    %ne3A_5 = arith.cmpi ne, %arg0, %ne3A : i32
    %convert_element_type3A_6 = arith.extui %ne3A_5 : i1 to i32
    %cond3A_7 = arith.constant 0 : i32
    %cond3A_8 = arith.cmpi ne, %convert_element_type3A_6, %cond3A_7 : i32
    scf.if %cond3A_8 {
      "tpu.region"() ({
        %run_scoped3A_220 = tpu.sem_alloc : memref<!tpu.dma_semaphore, #tpu.memory_space<semaphore_mem>>
        %dma_start3A_221 = arith.constant 0 : i32
        %dma_start3A_222 = tpu.memref_slice %arg10[%mul3A_2, %dma_start3A_221] : memref<10112x64xf32, #tpu.memory_space<vmem_shared>> -> memref<632x64xf32, #tpu.memory_space<vmem_shared>>
        tpu.enqueue_dma source(%arg5 : memref<632x64xf32, #tpu.memory_space<hbm>>) target(%dma_start3A_222 : memref<632x64xf32, #tpu.memory_space<vmem_shared>>) target_semaphore(%run_scoped3A_220 : memref<!tpu.dma_semaphore, #tpu.memory_space<semaphore_mem>>)
        %dma_wait3A_223 = arith.constant 0 : i32
        %dma_wait3A_224 = tpu.memref_slice %arg10[%mul3A_2, %dma_wait3A_223] : memref<10112x64xf32, #tpu.memory_space<vmem_shared>> -> memref<632x64xf32, #tpu.memory_space<vmem_shared>>
        tpu.wait_dma2 semaphore(%run_scoped3A_220 : memref<!tpu.dma_semaphore, #tpu.memory_space<semaphore_mem>>) src(%arg5 : memref<632x64xf32, #tpu.memory_space<hbm>>) dst(%dma_wait3A_224 : memref<632x64xf32, #tpu.memory_space<vmem_shared>>)
        tpu.yield
      }) : () -> ()
    } else {
    }
    %barrier3A = arith.constant 0 : index
    tpu.barrier barrier_id(%barrier3A)
    %dma_start3A = arith.constant 0 : i32
    %dma_start3A_9 = arith.constant 0 : i32
    %dma_start3A_10 = arith.constant 0 : i32
    %dma_start3A_11 = arith.constant 0 : i32
    %dma_start3A_12 = tpu.memref_slice %arg9[%dma_start3A_9, %dma_start3A_10, %dma_start3A_11] : memref<8x128x64xf32, #tpu.memory_space<vmem>> -> memref<1x128x64xf32, #tpu.memory_space<vmem>>
    %dma_start3A_13 = tpu.memref_squeeze %dma_start3A_12 : memref<1x128x64xf32, #tpu.memory_space<vmem>> -> memref<128x64xf32, #tpu.memory_space<vmem>>
    %dma_start3A_14 = arith.constant 0 : i32
    %dma_start3A_15 = tpu.memref_slice %arg7[%dma_start3A, %dma_start3A_14] : memref<80x128xi32, #tpu.memory_space<vmem>> -> memref<1x128xi32, #tpu.memory_space<vmem>>
    %dma_start3A_16 = tpu.memref_squeeze %dma_start3A_15 : memref<1x128xi32, #tpu.memory_space<vmem>> -> memref<128xi32, #tpu.memory_space<vmem>>
    %dma_start3A_17 = arith.constant 0 : i32
    %dma_start3A_18 = arith.constant 0 : i32
    %dma_start3A_19 = tpu.memref_slice %arg4[%dma_start3A_17, %dma_start3A_18] : memref<10112x64xf32, #tpu.memory_space<hbm>> -> memref<10112x64xf32, #tpu.memory_space<hbm>>
    tpu.enqueue_indirect_dma source(%dma_start3A_19 : memref<10112x64xf32, #tpu.memory_space<hbm>>) target(%dma_start3A_13 : memref<128x64xf32, #tpu.memory_space<vmem>>) offsets(%dma_start3A_16 : memref<128xi32, #tpu.memory_space<vmem>>) semaphore(%arg11 : memref<!tpu.dma_semaphore, #tpu.memory_space<semaphore_mem>>)
    %dma_start3A_20 = arith.constant 1 : i32
    %dma_start3A_21 = arith.constant 1 : i32
    %dma_start3A_22 = arith.constant 0 : i32
    %dma_start3A_23 = arith.constant 0 : i32
    %dma_start3A_24 = tpu.memref_slice %arg9[%dma_start3A_21, %dma_start3A_22, %dma_start3A_23] : memref<8x128x64xf32, #tpu.memory_space<vmem>> -> memref<1x128x64xf32, #tpu.memory_space<vmem>>
    %dma_start3A_25 = tpu.memref_squeeze %dma_start3A_24 : memref<1x128x64xf32, #tpu.memory_space<vmem>> -> memref<128x64xf32, #tpu.memory_space<vmem>>
    %dma_start3A_26 = arith.constant 0 : i32
    %dma_start3A_27 = tpu.memref_slice %arg7[%dma_start3A_20, %dma_start3A_26] : memref<80x128xi32, #tpu.memory_space<vmem>> -> memref<1x128xi32, #tpu.memory_space<vmem>>
    %dma_start3A_28 = tpu.memref_squeeze %dma_start3A_27 : memref<1x128xi32, #tpu.memory_space<vmem>> -> memref<128xi32, #tpu.memory_space<vmem>>
    %dma_start3A_29 = arith.constant 0 : i32
    %dma_start3A_30 = arith.constant 0 : i32
    %dma_start3A_31 = tpu.memref_slice %arg4[%dma_start3A_29, %dma_start3A_30] : memref<10112x64xf32, #tpu.memory_space<hbm>> -> memref<10112x64xf32, #tpu.memory_space<hbm>>
    tpu.enqueue_indirect_dma source(%dma_start3A_31 : memref<10112x64xf32, #tpu.memory_space<hbm>>) target(%dma_start3A_25 : memref<128x64xf32, #tpu.memory_space<vmem>>) offsets(%dma_start3A_28 : memref<128xi32, #tpu.memory_space<vmem>>) semaphore(%arg12 : memref<!tpu.dma_semaphore, #tpu.memory_space<semaphore_mem>>)
    %dma_start3A_32 = arith.constant 2 : i32
    %dma_start3A_33 = arith.constant 2 : i32
    %dma_start3A_34 = arith.constant 0 : i32
    %dma_start3A_35 = arith.constant 0 : i32
    %dma_start3A_36 = tpu.memref_slice %arg9[%dma_start3A_33, %dma_start3A_34, %dma_start3A_35] : memref<8x128x64xf32, #tpu.memory_space<vmem>> -> memref<1x128x64xf32, #tpu.memory_space<vmem>>
    %dma_start3A_37 = tpu.memref_squeeze %dma_start3A_36 : memref<1x128x64xf32, #tpu.memory_space<vmem>> -> memref<128x64xf32, #tpu.memory_space<vmem>>
    %dma_start3A_38 = arith.constant 0 : i32
    %dma_start3A_39 = tpu.memref_slice %arg7[%dma_start3A_32, %dma_start3A_38] : memref<80x128xi32, #tpu.memory_space<vmem>> -> memref<1x128xi32, #tpu.memory_space<vmem>>
    %dma_start3A_40 = tpu.memref_squeeze %dma_start3A_39 : memref<1x128xi32, #tpu.memory_space<vmem>> -> memref<128xi32, #tpu.memory_space<vmem>>
    %dma_start3A_41 = arith.constant 0 : i32
    %dma_start3A_42 = arith.constant 0 : i32
    %dma_start3A_43 = tpu.memref_slice %arg4[%dma_start3A_41, %dma_start3A_42] : memref<10112x64xf32, #tpu.memory_space<hbm>> -> memref<10112x64xf32, #tpu.memory_space<hbm>>
    tpu.enqueue_indirect_dma source(%dma_start3A_43 : memref<10112x64xf32, #tpu.memory_space<hbm>>) target(%dma_start3A_37 : memref<128x64xf32, #tpu.memory_space<vmem>>) offsets(%dma_start3A_40 : memref<128xi32, #tpu.memory_space<vmem>>) semaphore(%arg13 : memref<!tpu.dma_semaphore, #tpu.memory_space<semaphore_mem>>)
    %dma_start3A_44 = arith.constant 3 : i32
    %dma_start3A_45 = arith.constant 3 : i32
    %dma_start3A_46 = arith.constant 0 : i32
    %dma_start3A_47 = arith.constant 0 : i32
    %dma_start3A_48 = tpu.memref_slice %arg9[%dma_start3A_45, %dma_start3A_46, %dma_start3A_47] : memref<8x128x64xf32, #tpu.memory_space<vmem>> -> memref<1x128x64xf32, #tpu.memory_space<vmem>>
    %dma_start3A_49 = tpu.memref_squeeze %dma_start3A_48 : memref<1x128x64xf32, #tpu.memory_space<vmem>> -> memref<128x64xf32, #tpu.memory_space<vmem>>
    %dma_start3A_50 = arith.constant 0 : i32
    %dma_start3A_51 = tpu.memref_slice %arg7[%dma_start3A_44, %dma_start3A_50] : memref<80x128xi32, #tpu.memory_space<vmem>> -> memref<1x128xi32, #tpu.memory_space<vmem>>
    %dma_start3A_52 = tpu.memref_squeeze %dma_start3A_51 : memref<1x128xi32, #tpu.memory_space<vmem>> -> memref<128xi32, #tpu.memory_space<vmem>>
    %dma_start3A_53 = arith.constant 0 : i32
    %dma_start3A_54 = arith.constant 0 : i32
    %dma_start3A_55 = tpu.memref_slice %arg4[%dma_start3A_53, %dma_start3A_54] : memref<10112x64xf32, #tpu.memory_space<hbm>> -> memref<10112x64xf32, #tpu.memory_space<hbm>>
    tpu.enqueue_indirect_dma source(%dma_start3A_55 : memref<10112x64xf32, #tpu.memory_space<hbm>>) target(%dma_start3A_49 : memref<128x64xf32, #tpu.memory_space<vmem>>) offsets(%dma_start3A_52 : memref<128xi32, #tpu.memory_space<vmem>>) semaphore(%arg14 : memref<!tpu.dma_semaphore, #tpu.memory_space<semaphore_mem>>)
    %dma_start3A_56 = arith.constant 4 : i32
    %dma_start3A_57 = arith.constant 4 : i32
    %dma_start3A_58 = arith.constant 0 : i32
    %dma_start3A_59 = arith.constant 0 : i32
    %dma_start3A_60 = tpu.memref_slice %arg9[%dma_start3A_57, %dma_start3A_58, %dma_start3A_59] : memref<8x128x64xf32, #tpu.memory_space<vmem>> -> memref<1x128x64xf32, #tpu.memory_space<vmem>>
    %dma_start3A_61 = tpu.memref_squeeze %dma_start3A_60 : memref<1x128x64xf32, #tpu.memory_space<vmem>> -> memref<128x64xf32, #tpu.memory_space<vmem>>
    %dma_start3A_62 = arith.constant 0 : i32
    %dma_start3A_63 = tpu.memref_slice %arg7[%dma_start3A_56, %dma_start3A_62] : memref<80x128xi32, #tpu.memory_space<vmem>> -> memref<1x128xi32, #tpu.memory_space<vmem>>
    %dma_start3A_64 = tpu.memref_squeeze %dma_start3A_63 : memref<1x128xi32, #tpu.memory_space<vmem>> -> memref<128xi32, #tpu.memory_space<vmem>>
    %dma_start3A_65 = arith.constant 0 : i32
    %dma_start3A_66 = arith.constant 0 : i32
    %dma_start3A_67 = tpu.memref_slice %arg4[%dma_start3A_65, %dma_start3A_66] : memref<10112x64xf32, #tpu.memory_space<hbm>> -> memref<10112x64xf32, #tpu.memory_space<hbm>>
    tpu.enqueue_indirect_dma source(%dma_start3A_67 : memref<10112x64xf32, #tpu.memory_space<hbm>>) target(%dma_start3A_61 : memref<128x64xf32, #tpu.memory_space<vmem>>) offsets(%dma_start3A_64 : memref<128xi32, #tpu.memory_space<vmem>>) semaphore(%arg15 : memref<!tpu.dma_semaphore, #tpu.memory_space<semaphore_mem>>)
    %dma_start3A_68 = arith.constant 5 : i32
    %dma_start3A_69 = arith.constant 5 : i32
    %dma_start3A_70 = arith.constant 0 : i32
    %dma_start3A_71 = arith.constant 0 : i32
    %dma_start3A_72 = tpu.memref_slice %arg9[%dma_start3A_69, %dma_start3A_70, %dma_start3A_71] : memref<8x128x64xf32, #tpu.memory_space<vmem>> -> memref<1x128x64xf32, #tpu.memory_space<vmem>>
    %dma_start3A_73 = tpu.memref_squeeze %dma_start3A_72 : memref<1x128x64xf32, #tpu.memory_space<vmem>> -> memref<128x64xf32, #tpu.memory_space<vmem>>
    %dma_start3A_74 = arith.constant 0 : i32
    %dma_start3A_75 = tpu.memref_slice %arg7[%dma_start3A_68, %dma_start3A_74] : memref<80x128xi32, #tpu.memory_space<vmem>> -> memref<1x128xi32, #tpu.memory_space<vmem>>
    %dma_start3A_76 = tpu.memref_squeeze %dma_start3A_75 : memref<1x128xi32, #tpu.memory_space<vmem>> -> memref<128xi32, #tpu.memory_space<vmem>>
    %dma_start3A_77 = arith.constant 0 : i32
    %dma_start3A_78 = arith.constant 0 : i32
    %dma_start3A_79 = tpu.memref_slice %arg4[%dma_start3A_77, %dma_start3A_78] : memref<10112x64xf32, #tpu.memory_space<hbm>> -> memref<10112x64xf32, #tpu.memory_space<hbm>>
    tpu.enqueue_indirect_dma source(%dma_start3A_79 : memref<10112x64xf32, #tpu.memory_space<hbm>>) target(%dma_start3A_73 : memref<128x64xf32, #tpu.memory_space<vmem>>) offsets(%dma_start3A_76 : memref<128xi32, #tpu.memory_space<vmem>>) semaphore(%arg16 : memref<!tpu.dma_semaphore, #tpu.memory_space<semaphore_mem>>)
    %dma_start3A_80 = arith.constant 6 : i32
    %dma_start3A_81 = arith.constant 6 : i32
    %dma_start3A_82 = arith.constant 0 : i32
    %dma_start3A_83 = arith.constant 0 : i32
    %dma_start3A_84 = tpu.memref_slice %arg9[%dma_start3A_81, %dma_start3A_82, %dma_start3A_83] : memref<8x128x64xf32, #tpu.memory_space<vmem>> -> memref<1x128x64xf32, #tpu.memory_space<vmem>>
    %dma_start3A_85 = tpu.memref_squeeze %dma_start3A_84 : memref<1x128x64xf32, #tpu.memory_space<vmem>> -> memref<128x64xf32, #tpu.memory_space<vmem>>
    %dma_start3A_86 = arith.constant 0 : i32
    %dma_start3A_87 = tpu.memref_slice %arg7[%dma_start3A_80, %dma_start3A_86] : memref<80x128xi32, #tpu.memory_space<vmem>> -> memref<1x128xi32, #tpu.memory_space<vmem>>
    %dma_start3A_88 = tpu.memref_squeeze %dma_start3A_87 : memref<1x128xi32, #tpu.memory_space<vmem>> -> memref<128xi32, #tpu.memory_space<vmem>>
    %dma_start3A_89 = arith.constant 0 : i32
    %dma_start3A_90 = arith.constant 0 : i32
    %dma_start3A_91 = tpu.memref_slice %arg4[%dma_start3A_89, %dma_start3A_90] : memref<10112x64xf32, #tpu.memory_space<hbm>> -> memref<10112x64xf32, #tpu.memory_space<hbm>>
    tpu.enqueue_indirect_dma source(%dma_start3A_91 : memref<10112x64xf32, #tpu.memory_space<hbm>>) target(%dma_start3A_85 : memref<128x64xf32, #tpu.memory_space<vmem>>) offsets(%dma_start3A_88 : memref<128xi32, #tpu.memory_space<vmem>>) semaphore(%arg17 : memref<!tpu.dma_semaphore, #tpu.memory_space<semaphore_mem>>)
    %dma_start3A_92 = arith.constant 7 : i32
    %dma_start3A_93 = arith.constant 7 : i32
    %dma_start3A_94 = arith.constant 0 : i32
    %dma_start3A_95 = arith.constant 0 : i32
    %dma_start3A_96 = tpu.memref_slice %arg9[%dma_start3A_93, %dma_start3A_94, %dma_start3A_95] : memref<8x128x64xf32, #tpu.memory_space<vmem>> -> memref<1x128x64xf32, #tpu.memory_space<vmem>>
    %dma_start3A_97 = tpu.memref_squeeze %dma_start3A_96 : memref<1x128x64xf32, #tpu.memory_space<vmem>> -> memref<128x64xf32, #tpu.memory_space<vmem>>
    %dma_start3A_98 = arith.constant 0 : i32
    %dma_start3A_99 = tpu.memref_slice %arg7[%dma_start3A_92, %dma_start3A_98] : memref<80x128xi32, #tpu.memory_space<vmem>> -> memref<1x128xi32, #tpu.memory_space<vmem>>
    %dma_start3A_100 = tpu.memref_squeeze %dma_start3A_99 : memref<1x128xi32, #tpu.memory_space<vmem>> -> memref<128xi32, #tpu.memory_space<vmem>>
    %dma_start3A_101 = arith.constant 0 : i32
    %dma_start3A_102 = arith.constant 0 : i32
    %dma_start3A_103 = tpu.memref_slice %arg4[%dma_start3A_101, %dma_start3A_102] : memref<10112x64xf32, #tpu.memory_space<hbm>> -> memref<10112x64xf32, #tpu.memory_space<hbm>>
    tpu.enqueue_indirect_dma source(%dma_start3A_103 : memref<10112x64xf32, #tpu.memory_space<hbm>>) target(%dma_start3A_97 : memref<128x64xf32, #tpu.memory_space<vmem>>) offsets(%dma_start3A_100 : memref<128xi32, #tpu.memory_space<vmem>>) semaphore(%arg18 : memref<!tpu.dma_semaphore, #tpu.memory_space<semaphore_mem>>)
    %scan3A = arith.constant 0 : i32
    %scan3A_104 = arith.constant 0 : i32
    %scan3A_105 = arith.constant 9 : i32
    %scan3A_106 = arith.addi %scan3A_104, %scan3A_105 : i32
    %scan3A_107 = arith.constant 1 : i32
    scf.for %scan3A_220 = %scan3A_104 to %scan3A_106 step %scan3A_107  : i32 {
      %mul3A_221 = arith.constant 8 : i32
      %mul3A_222 = arith.muli %scan3A_220, %mul3A_221 : i32
      %add3A_223 = arith.constant 0 : i32
      %add3A_224 = arith.addi %mul3A_222, %add3A_223 : i32
      %dma_wait3A_225 = arith.constant 0 : i32
      %dma_wait3A_226 = arith.constant 0 : i32
      %dma_wait3A_227 = arith.constant 0 : i32
      %dma_wait3A_228 = tpu.memref_slice %arg9[%dma_wait3A_225, %dma_wait3A_226, %dma_wait3A_227] : memref<8x128x64xf32, #tpu.memory_space<vmem>> -> memref<1x128x64xf32, #tpu.memory_space<vmem>>
      %dma_wait3A_229 = tpu.memref_squeeze %dma_wait3A_228 : memref<1x128x64xf32, #tpu.memory_space<vmem>> -> memref<128x64xf32, #tpu.memory_space<vmem>>
      %dma_wait3A_230 = arith.constant 0 : i32
      %dma_wait3A_231 = tpu.memref_slice %arg7[%add3A_224, %dma_wait3A_230] : memref<80x128xi32, #tpu.memory_space<vmem>> -> memref<1x128xi32, #tpu.memory_space<vmem>>
      %dma_wait3A_232 = tpu.memref_squeeze %dma_wait3A_231 : memref<1x128xi32, #tpu.memory_space<vmem>> -> memref<128xi32, #tpu.memory_space<vmem>>
      %dma_wait3A_233 = arith.constant 0 : i32
      %dma_wait3A_234 = arith.constant 0 : i32
      %dma_wait3A_235 = tpu.memref_slice %arg4[%dma_wait3A_233, %dma_wait3A_234] : memref<10112x64xf32, #tpu.memory_space<hbm>> -> memref<10112x64xf32, #tpu.memory_space<hbm>>
      tpu.wait_indirect_dma semaphore(%arg11 : memref<!tpu.dma_semaphore, #tpu.memory_space<semaphore_mem>>) src(%dma_wait3A_235 : memref<10112x64xf32, #tpu.memory_space<hbm>>) dst(%dma_wait3A_229 : memref<128x64xf32, #tpu.memory_space<vmem>>)
      %run_scoped3A_236 = arith.constant 0 : i32
      "tpu.region"() ({
        %run_scoped3A_439 = tpu.sem_alloc : memref<!tpu.dma_semaphore, #tpu.memory_space<semaphore_mem>>
        %dma_start3A_440 = arith.constant 0 : i32
        %dma_start3A_441 = arith.constant 0 : i32
        %dma_start3A_442 = tpu.memref_slice %arg9[%run_scoped3A_236, %dma_start3A_440, %dma_start3A_441] : memref<8x128x64xf32, #tpu.memory_space<vmem>> -> memref<1x128x64xf32, #tpu.memory_space<vmem>>
        %dma_start3A_443 = tpu.memref_squeeze %dma_start3A_442 : memref<1x128x64xf32, #tpu.memory_space<vmem>> -> memref<128x64xf32, #tpu.memory_space<vmem>>
        %dma_start3A_444 = arith.constant 0 : i32
        %dma_start3A_445 = tpu.memref_slice %arg8[%add3A_224, %dma_start3A_444] : memref<80x128xi32, #tpu.memory_space<vmem>> -> memref<1x128xi32, #tpu.memory_space<vmem>>
        %dma_start3A_446 = tpu.memref_squeeze %dma_start3A_445 : memref<1x128xi32, #tpu.memory_space<vmem>> -> memref<128xi32, #tpu.memory_space<vmem>>
        %dma_start3A_447 = arith.constant 0 : i32
        %dma_start3A_448 = arith.constant 0 : i32
        %dma_start3A_449 = tpu.memref_slice %arg10[%dma_start3A_447, %dma_start3A_448] : memref<10112x64xf32, #tpu.memory_space<vmem_shared>> -> memref<10112x64xf32, #tpu.memory_space<vmem_shared>>
        tpu.enqueue_indirect_dma source(%dma_start3A_443 : memref<128x64xf32, #tpu.memory_space<vmem>>) target(%dma_start3A_449 : memref<10112x64xf32, #tpu.memory_space<vmem_shared>>) offsets(%dma_start3A_446 : memref<128xi32, #tpu.memory_space<vmem>>) semaphore(%run_scoped3A_439 : memref<!tpu.dma_semaphore, #tpu.memory_space<semaphore_mem>>) {add = true}
        %dma_wait3A_450 = arith.constant 0 : i32
        %dma_wait3A_451 = arith.constant 0 : i32
        %dma_wait3A_452 = tpu.memref_slice %arg9[%run_scoped3A_236, %dma_wait3A_450, %dma_wait3A_451] : memref<8x128x64xf32, #tpu.memory_space<vmem>> -> memref<1x128x64xf32, #tpu.memory_space<vmem>>
        %dma_wait3A_453 = tpu.memref_squeeze %dma_wait3A_452 : memref<1x128x64xf32, #tpu.memory_space<vmem>> -> memref<128x64xf32, #tpu.memory_space<vmem>>
        %dma_wait3A_454 = arith.constant 0 : i32
        %dma_wait3A_455 = tpu.memref_slice %arg8[%add3A_224, %dma_wait3A_454] : memref<80x128xi32, #tpu.memory_space<vmem>> -> memref<1x128xi32, #tpu.memory_space<vmem>>
        %dma_wait3A_456 = tpu.memref_squeeze %dma_wait3A_455 : memref<1x128xi32, #tpu.memory_space<vmem>> -> memref<128xi32, #tpu.memory_space<vmem>>
        %dma_wait3A_457 = arith.constant 0 : i32
        %dma_wait3A_458 = arith.constant 0 : i32
        %dma_wait3A_459 = tpu.memref_slice %arg10[%dma_wait3A_457, %dma_wait3A_458] : memref<10112x64xf32, #tpu.memory_space<vmem_shared>> -> memref<10112x64xf32, #tpu.memory_space<vmem_shared>>
        tpu.wait_indirect_dma semaphore(%run_scoped3A_439 : memref<!tpu.dma_semaphore, #tpu.memory_space<semaphore_mem>>) src(%dma_wait3A_453 : memref<128x64xf32, #tpu.memory_space<vmem>>) dst(%dma_wait3A_459 : memref<10112x64xf32, #tpu.memory_space<vmem_shared>>)
        tpu.yield
      }) : () -> ()
      %add3A_237 = arith.constant 8 : i32
      %add3A_238 = arith.addi %add3A_224, %add3A_237 : i32
      %dma_start3A_239 = arith.constant 0 : i32
      %dma_start3A_240 = arith.constant 0 : i32
      %dma_start3A_241 = arith.constant 0 : i32
      %dma_start3A_242 = tpu.memref_slice %arg9[%dma_start3A_239, %dma_start3A_240, %dma_start3A_241] : memref<8x128x64xf32, #tpu.memory_space<vmem>> -> memref<1x128x64xf32, #tpu.memory_space<vmem>>
      %dma_start3A_243 = tpu.memref_squeeze %dma_start3A_242 : memref<1x128x64xf32, #tpu.memory_space<vmem>> -> memref<128x64xf32, #tpu.memory_space<vmem>>
      %dma_start3A_244 = arith.constant 0 : i32
      %dma_start3A_245 = tpu.memref_slice %arg7[%add3A_238, %dma_start3A_244] : memref<80x128xi32, #tpu.memory_space<vmem>> -> memref<1x128xi32, #tpu.memory_space<vmem>>
      %dma_start3A_246 = tpu.memref_squeeze %dma_start3A_245 : memref<1x128xi32, #tpu.memory_space<vmem>> -> memref<128xi32, #tpu.memory_space<vmem>>
      %dma_start3A_247 = arith.constant 0 : i32
      %dma_start3A_248 = arith.constant 0 : i32
      %dma_start3A_249 = tpu.memref_slice %arg4[%dma_start3A_247, %dma_start3A_248] : memref<10112x64xf32, #tpu.memory_space<hbm>> -> memref<10112x64xf32, #tpu.memory_space<hbm>>
      tpu.enqueue_indirect_dma source(%dma_start3A_249 : memref<10112x64xf32, #tpu.memory_space<hbm>>) target(%dma_start3A_243 : memref<128x64xf32, #tpu.memory_space<vmem>>) offsets(%dma_start3A_246 : memref<128xi32, #tpu.memory_space<vmem>>) semaphore(%arg11 : memref<!tpu.dma_semaphore, #tpu.memory_space<semaphore_mem>>)
      %add3A_250 = arith.constant 1 : i32
      %add3A_251 = arith.addi %mul3A_222, %add3A_250 : i32
      %dma_wait3A_252 = arith.constant 1 : i32
      %dma_wait3A_253 = arith.constant 0 : i32
      %dma_wait3A_254 = arith.constant 0 : i32
      %dma_wait3A_255 = tpu.memref_slice %arg9[%dma_wait3A_252, %dma_wait3A_253, %dma_wait3A_254] : memref<8x128x64xf32, #tpu.memory_space<vmem>> -> memref<1x128x64xf32, #tpu.memory_space<vmem>>
      %dma_wait3A_256 = tpu.memref_squeeze %dma_wait3A_255 : memref<1x128x64xf32, #tpu.memory_space<vmem>> -> memref<128x64xf32, #tpu.memory_space<vmem>>
      %dma_wait3A_257 = arith.constant 0 : i32
      %dma_wait3A_258 = tpu.memref_slice %arg7[%add3A_251, %dma_wait3A_257] : memref<80x128xi32, #tpu.memory_space<vmem>> -> memref<1x128xi32, #tpu.memory_space<vmem>>
      %dma_wait3A_259 = tpu.memref_squeeze %dma_wait3A_258 : memref<1x128xi32, #tpu.memory_space<vmem>> -> memref<128xi32, #tpu.memory_space<vmem>>
      %dma_wait3A_260 = arith.constant 0 : i32
      %dma_wait3A_261 = arith.constant 0 : i32
      %dma_wait3A_262 = tpu.memref_slice %arg4[%dma_wait3A_260, %dma_wait3A_261] : memref<10112x64xf32, #tpu.memory_space<hbm>> -> memref<10112x64xf32, #tpu.memory_space<hbm>>
      tpu.wait_indirect_dma semaphore(%arg12 : memref<!tpu.dma_semaphore, #tpu.memory_space<semaphore_mem>>) src(%dma_wait3A_262 : memref<10112x64xf32, #tpu.memory_space<hbm>>) dst(%dma_wait3A_256 : memref<128x64xf32, #tpu.memory_space<vmem>>)
      %run_scoped3A_263 = arith.constant 1 : i32
      "tpu.region"() ({
        %run_scoped3A_439 = tpu.sem_alloc : memref<!tpu.dma_semaphore, #tpu.memory_space<semaphore_mem>>
        %dma_start3A_440 = arith.constant 0 : i32
        %dma_start3A_441 = arith.constant 0 : i32
        %dma_start3A_442 = tpu.memref_slice %arg9[%run_scoped3A_263, %dma_start3A_440, %dma_start3A_441] : memref<8x128x64xf32, #tpu.memory_space<vmem>> -> memref<1x128x64xf32, #tpu.memory_space<vmem>>
        %dma_start3A_443 = tpu.memref_squeeze %dma_start3A_442 : memref<1x128x64xf32, #tpu.memory_space<vmem>> -> memref<128x64xf32, #tpu.memory_space<vmem>>
        %dma_start3A_444 = arith.constant 0 : i32
        %dma_start3A_445 = tpu.memref_slice %arg8[%add3A_251, %dma_start3A_444] : memref<80x128xi32, #tpu.memory_space<vmem>> -> memref<1x128xi32, #tpu.memory_space<vmem>>
        %dma_start3A_446 = tpu.memref_squeeze %dma_start3A_445 : memref<1x128xi32, #tpu.memory_space<vmem>> -> memref<128xi32, #tpu.memory_space<vmem>>
        %dma_start3A_447 = arith.constant 0 : i32
        %dma_start3A_448 = arith.constant 0 : i32
        %dma_start3A_449 = tpu.memref_slice %arg10[%dma_start3A_447, %dma_start3A_448] : memref<10112x64xf32, #tpu.memory_space<vmem_shared>> -> memref<10112x64xf32, #tpu.memory_space<vmem_shared>>
        tpu.enqueue_indirect_dma source(%dma_start3A_443 : memref<128x64xf32, #tpu.memory_space<vmem>>) target(%dma_start3A_449 : memref<10112x64xf32, #tpu.memory_space<vmem_shared>>) offsets(%dma_start3A_446 : memref<128xi32, #tpu.memory_space<vmem>>) semaphore(%run_scoped3A_439 : memref<!tpu.dma_semaphore, #tpu.memory_space<semaphore_mem>>) {add = true}
        %dma_wait3A_450 = arith.constant 0 : i32
        %dma_wait3A_451 = arith.constant 0 : i32
        %dma_wait3A_452 = tpu.memref_slice %arg9[%run_scoped3A_263, %dma_wait3A_450, %dma_wait3A_451] : memref<8x128x64xf32, #tpu.memory_space<vmem>> -> memref<1x128x64xf32, #tpu.memory_space<vmem>>
        %dma_wait3A_453 = tpu.memref_squeeze %dma_wait3A_452 : memref<1x128x64xf32, #tpu.memory_space<vmem>> -> memref<128x64xf32, #tpu.memory_space<vmem>>
        %dma_wait3A_454 = arith.constant 0 : i32
        %dma_wait3A_455 = tpu.memref_slice %arg8[%add3A_251, %dma_wait3A_454] : memref<80x128xi32, #tpu.memory_space<vmem>> -> memref<1x128xi32, #tpu.memory_space<vmem>>
        %dma_wait3A_456 = tpu.memref_squeeze %dma_wait3A_455 : memref<1x128xi32, #tpu.memory_space<vmem>> -> memref<128xi32, #tpu.memory_space<vmem>>
        %dma_wait3A_457 = arith.constant 0 : i32
        %dma_wait3A_458 = arith.constant 0 : i32
        %dma_wait3A_459 = tpu.memref_slice %arg10[%dma_wait3A_457, %dma_wait3A_458] : memref<10112x64xf32, #tpu.memory_space<vmem_shared>> -> memref<10112x64xf32, #tpu.memory_space<vmem_shared>>
        tpu.wait_indirect_dma semaphore(%run_scoped3A_439 : memref<!tpu.dma_semaphore, #tpu.memory_space<semaphore_mem>>) src(%dma_wait3A_453 : memref<128x64xf32, #tpu.memory_space<vmem>>) dst(%dma_wait3A_459 : memref<10112x64xf32, #tpu.memory_space<vmem_shared>>)
        tpu.yield
      }) : () -> ()
      %add3A_264 = arith.constant 8 : i32
      %add3A_265 = arith.addi %add3A_251, %add3A_264 : i32
      %dma_start3A_266 = arith.constant 1 : i32
      %dma_start3A_267 = arith.constant 0 : i32
      %dma_start3A_268 = arith.constant 0 : i32
      %dma_start3A_269 = tpu.memref_slice %arg9[%dma_start3A_266, %dma_start3A_267, %dma_start3A_268] : memref<8x128x64xf32, #tpu.memory_space<vmem>> -> memref<1x128x64xf32, #tpu.memory_space<vmem>>
      %dma_start3A_270 = tpu.memref_squeeze %dma_start3A_269 : memref<1x128x64xf32, #tpu.memory_space<vmem>> -> memref<128x64xf32, #tpu.memory_space<vmem>>
      %dma_start3A_271 = arith.constant 0 : i32
      %dma_start3A_272 = tpu.memref_slice %arg7[%add3A_265, %dma_start3A_271] : memref<80x128xi32, #tpu.memory_space<vmem>> -> memref<1x128xi32, #tpu.memory_space<vmem>>
      %dma_start3A_273 = tpu.memref_squeeze %dma_start3A_272 : memref<1x128xi32, #tpu.memory_space<vmem>> -> memref<128xi32, #tpu.memory_space<vmem>>
      %dma_start3A_274 = arith.constant 0 : i32
      %dma_start3A_275 = arith.constant 0 : i32
      %dma_start3A_276 = tpu.memref_slice %arg4[%dma_start3A_274, %dma_start3A_275] : memref<10112x64xf32, #tpu.memory_space<hbm>> -> memref<10112x64xf32, #tpu.memory_space<hbm>>
      tpu.enqueue_indirect_dma source(%dma_start3A_276 : memref<10112x64xf32, #tpu.memory_space<hbm>>) target(%dma_start3A_270 : memref<128x64xf32, #tpu.memory_space<vmem>>) offsets(%dma_start3A_273 : memref<128xi32, #tpu.memory_space<vmem>>) semaphore(%arg12 : memref<!tpu.dma_semaphore, #tpu.memory_space<semaphore_mem>>)
      %add3A_277 = arith.constant 2 : i32
      %add3A_278 = arith.addi %mul3A_222, %add3A_277 : i32
      %dma_wait3A_279 = arith.constant 2 : i32
      %dma_wait3A_280 = arith.constant 0 : i32
      %dma_wait3A_281 = arith.constant 0 : i32
      %dma_wait3A_282 = tpu.memref_slice %arg9[%dma_wait3A_279, %dma_wait3A_280, %dma_wait3A_281] : memref<8x128x64xf32, #tpu.memory_space<vmem>> -> memref<1x128x64xf32, #tpu.memory_space<vmem>>
      %dma_wait3A_283 = tpu.memref_squeeze %dma_wait3A_282 : memref<1x128x64xf32, #tpu.memory_space<vmem>> -> memref<128x64xf32, #tpu.memory_space<vmem>>
      %dma_wait3A_284 = arith.constant 0 : i32
      %dma_wait3A_285 = tpu.memref_slice %arg7[%add3A_278, %dma_wait3A_284] : memref<80x128xi32, #tpu.memory_space<vmem>> -> memref<1x128xi32, #tpu.memory_space<vmem>>
      %dma_wait3A_286 = tpu.memref_squeeze %dma_wait3A_285 : memref<1x128xi32, #tpu.memory_space<vmem>> -> memref<128xi32, #tpu.memory_space<vmem>>
      %dma_wait3A_287 = arith.constant 0 : i32
      %dma_wait3A_288 = arith.constant 0 : i32
      %dma_wait3A_289 = tpu.memref_slice %arg4[%dma_wait3A_287, %dma_wait3A_288] : memref<10112x64xf32, #tpu.memory_space<hbm>> -> memref<10112x64xf32, #tpu.memory_space<hbm>>
      tpu.wait_indirect_dma semaphore(%arg13 : memref<!tpu.dma_semaphore, #tpu.memory_space<semaphore_mem>>) src(%dma_wait3A_289 : memref<10112x64xf32, #tpu.memory_space<hbm>>) dst(%dma_wait3A_283 : memref<128x64xf32, #tpu.memory_space<vmem>>)
      %run_scoped3A_290 = arith.constant 2 : i32
      "tpu.region"() ({
        %run_scoped3A_439 = tpu.sem_alloc : memref<!tpu.dma_semaphore, #tpu.memory_space<semaphore_mem>>
        %dma_start3A_440 = arith.constant 0 : i32
        %dma_start3A_441 = arith.constant 0 : i32
        %dma_start3A_442 = tpu.memref_slice %arg9[%run_scoped3A_290, %dma_start3A_440, %dma_start3A_441] : memref<8x128x64xf32, #tpu.memory_space<vmem>> -> memref<1x128x64xf32, #tpu.memory_space<vmem>>
        %dma_start3A_443 = tpu.memref_squeeze %dma_start3A_442 : memref<1x128x64xf32, #tpu.memory_space<vmem>> -> memref<128x64xf32, #tpu.memory_space<vmem>>
        %dma_start3A_444 = arith.constant 0 : i32
        %dma_start3A_445 = tpu.memref_slice %arg8[%add3A_278, %dma_start3A_444] : memref<80x128xi32, #tpu.memory_space<vmem>> -> memref<1x128xi32, #tpu.memory_space<vmem>>
        %dma_start3A_446 = tpu.memref_squeeze %dma_start3A_445 : memref<1x128xi32, #tpu.memory_space<vmem>> -> memref<128xi32, #tpu.memory_space<vmem>>
        %dma_start3A_447 = arith.constant 0 : i32
        %dma_start3A_448 = arith.constant 0 : i32
        %dma_start3A_449 = tpu.memref_slice %arg10[%dma_start3A_447, %dma_start3A_448] : memref<10112x64xf32, #tpu.memory_space<vmem_shared>> -> memref<10112x64xf32, #tpu.memory_space<vmem_shared>>
        tpu.enqueue_indirect_dma source(%dma_start3A_443 : memref<128x64xf32, #tpu.memory_space<vmem>>) target(%dma_start3A_449 : memref<10112x64xf32, #tpu.memory_space<vmem_shared>>) offsets(%dma_start3A_446 : memref<128xi32, #tpu.memory_space<vmem>>) semaphore(%run_scoped3A_439 : memref<!tpu.dma_semaphore, #tpu.memory_space<semaphore_mem>>) {add = true}
        %dma_wait3A_450 = arith.constant 0 : i32
        %dma_wait3A_451 = arith.constant 0 : i32
        %dma_wait3A_452 = tpu.memref_slice %arg9[%run_scoped3A_290, %dma_wait3A_450, %dma_wait3A_451] : memref<8x128x64xf32, #tpu.memory_space<vmem>> -> memref<1x128x64xf32, #tpu.memory_space<vmem>>
        %dma_wait3A_453 = tpu.memref_squeeze %dma_wait3A_452 : memref<1x128x64xf32, #tpu.memory_space<vmem>> -> memref<128x64xf32, #tpu.memory_space<vmem>>
        %dma_wait3A_454 = arith.constant 0 : i32
        %dma_wait3A_455 = tpu.memref_slice %arg8[%add3A_278, %dma_wait3A_454] : memref<80x128xi32, #tpu.memory_space<vmem>> -> memref<1x128xi32, #tpu.memory_space<vmem>>
        %dma_wait3A_456 = tpu.memref_squeeze %dma_wait3A_455 : memref<1x128xi32, #tpu.memory_space<vmem>> -> memref<128xi32, #tpu.memory_space<vmem>>
        %dma_wait3A_457 = arith.constant 0 : i32
        %dma_wait3A_458 = arith.constant 0 : i32
        %dma_wait3A_459 = tpu.memref_slice %arg10[%dma_wait3A_457, %dma_wait3A_458] : memref<10112x64xf32, #tpu.memory_space<vmem_shared>> -> memref<10112x64xf32, #tpu.memory_space<vmem_shared>>
        tpu.wait_indirect_dma semaphore(%run_scoped3A_439 : memref<!tpu.dma_semaphore, #tpu.memory_space<semaphore_mem>>) src(%dma_wait3A_453 : memref<128x64xf32, #tpu.memory_space<vmem>>) dst(%dma_wait3A_459 : memref<10112x64xf32, #tpu.memory_space<vmem_shared>>)
        tpu.yield
      }) : () -> ()
      %add3A_291 = arith.constant 8 : i32
      %add3A_292 = arith.addi %add3A_278, %add3A_291 : i32
      %dma_start3A_293 = arith.constant 2 : i32
      %dma_start3A_294 = arith.constant 0 : i32
      %dma_start3A_295 = arith.constant 0 : i32
      %dma_start3A_296 = tpu.memref_slice %arg9[%dma_start3A_293, %dma_start3A_294, %dma_start3A_295] : memref<8x128x64xf32, #tpu.memory_space<vmem>> -> memref<1x128x64xf32, #tpu.memory_space<vmem>>
      %dma_start3A_297 = tpu.memref_squeeze %dma_start3A_296 : memref<1x128x64xf32, #tpu.memory_space<vmem>> -> memref<128x64xf32, #tpu.memory_space<vmem>>
      %dma_start3A_298 = arith.constant 0 : i32
      %dma_start3A_299 = tpu.memref_slice %arg7[%add3A_292, %dma_start3A_298] : memref<80x128xi32, #tpu.memory_space<vmem>> -> memref<1x128xi32, #tpu.memory_space<vmem>>
      %dma_start3A_300 = tpu.memref_squeeze %dma_start3A_299 : memref<1x128xi32, #tpu.memory_space<vmem>> -> memref<128xi32, #tpu.memory_space<vmem>>
      %dma_start3A_301 = arith.constant 0 : i32
      %dma_start3A_302 = arith.constant 0 : i32
      %dma_start3A_303 = tpu.memref_slice %arg4[%dma_start3A_301, %dma_start3A_302] : memref<10112x64xf32, #tpu.memory_space<hbm>> -> memref<10112x64xf32, #tpu.memory_space<hbm>>
      tpu.enqueue_indirect_dma source(%dma_start3A_303 : memref<10112x64xf32, #tpu.memory_space<hbm>>) target(%dma_start3A_297 : memref<128x64xf32, #tpu.memory_space<vmem>>) offsets(%dma_start3A_300 : memref<128xi32, #tpu.memory_space<vmem>>) semaphore(%arg13 : memref<!tpu.dma_semaphore, #tpu.memory_space<semaphore_mem>>)
      %add3A_304 = arith.constant 3 : i32
      %add3A_305 = arith.addi %mul3A_222, %add3A_304 : i32
      %dma_wait3A_306 = arith.constant 3 : i32
      %dma_wait3A_307 = arith.constant 0 : i32
      %dma_wait3A_308 = arith.constant 0 : i32
      %dma_wait3A_309 = tpu.memref_slice %arg9[%dma_wait3A_306, %dma_wait3A_307, %dma_wait3A_308] : memref<8x128x64xf32, #tpu.memory_space<vmem>> -> memref<1x128x64xf32, #tpu.memory_space<vmem>>
      %dma_wait3A_310 = tpu.memref_squeeze %dma_wait3A_309 : memref<1x128x64xf32, #tpu.memory_space<vmem>> -> memref<128x64xf32, #tpu.memory_space<vmem>>
      %dma_wait3A_311 = arith.constant 0 : i32
      %dma_wait3A_312 = tpu.memref_slice %arg7[%add3A_305, %dma_wait3A_311] : memref<80x128xi32, #tpu.memory_space<vmem>> -> memref<1x128xi32, #tpu.memory_space<vmem>>
      %dma_wait3A_313 = tpu.memref_squeeze %dma_wait3A_312 : memref<1x128xi32, #tpu.memory_space<vmem>> -> memref<128xi32, #tpu.memory_space<vmem>>
      %dma_wait3A_314 = arith.constant 0 : i32
      %dma_wait3A_315 = arith.constant 0 : i32
      %dma_wait3A_316 = tpu.memref_slice %arg4[%dma_wait3A_314, %dma_wait3A_315] : memref<10112x64xf32, #tpu.memory_space<hbm>> -> memref<10112x64xf32, #tpu.memory_space<hbm>>
      tpu.wait_indirect_dma semaphore(%arg14 : memref<!tpu.dma_semaphore, #tpu.memory_space<semaphore_mem>>) src(%dma_wait3A_316 : memref<10112x64xf32, #tpu.memory_space<hbm>>) dst(%dma_wait3A_310 : memref<128x64xf32, #tpu.memory_space<vmem>>)
      %run_scoped3A_317 = arith.constant 3 : i32
      "tpu.region"() ({
        %run_scoped3A_439 = tpu.sem_alloc : memref<!tpu.dma_semaphore, #tpu.memory_space<semaphore_mem>>
        %dma_start3A_440 = arith.constant 0 : i32
        %dma_start3A_441 = arith.constant 0 : i32
        %dma_start3A_442 = tpu.memref_slice %arg9[%run_scoped3A_317, %dma_start3A_440, %dma_start3A_441] : memref<8x128x64xf32, #tpu.memory_space<vmem>> -> memref<1x128x64xf32, #tpu.memory_space<vmem>>
        %dma_start3A_443 = tpu.memref_squeeze %dma_start3A_442 : memref<1x128x64xf32, #tpu.memory_space<vmem>> -> memref<128x64xf32, #tpu.memory_space<vmem>>
        %dma_start3A_444 = arith.constant 0 : i32
        %dma_start3A_445 = tpu.memref_slice %arg8[%add3A_305, %dma_start3A_444] : memref<80x128xi32, #tpu.memory_space<vmem>> -> memref<1x128xi32, #tpu.memory_space<vmem>>
        %dma_start3A_446 = tpu.memref_squeeze %dma_start3A_445 : memref<1x128xi32, #tpu.memory_space<vmem>> -> memref<128xi32, #tpu.memory_space<vmem>>
        %dma_start3A_447 = arith.constant 0 : i32
        %dma_start3A_448 = arith.constant 0 : i32
        %dma_start3A_449 = tpu.memref_slice %arg10[%dma_start3A_447, %dma_start3A_448] : memref<10112x64xf32, #tpu.memory_space<vmem_shared>> -> memref<10112x64xf32, #tpu.memory_space<vmem_shared>>
        tpu.enqueue_indirect_dma source(%dma_start3A_443 : memref<128x64xf32, #tpu.memory_space<vmem>>) target(%dma_start3A_449 : memref<10112x64xf32, #tpu.memory_space<vmem_shared>>) offsets(%dma_start3A_446 : memref<128xi32, #tpu.memory_space<vmem>>) semaphore(%run_scoped3A_439 : memref<!tpu.dma_semaphore, #tpu.memory_space<semaphore_mem>>) {add = true}
        %dma_wait3A_450 = arith.constant 0 : i32
        %dma_wait3A_451 = arith.constant 0 : i32
        %dma_wait3A_452 = tpu.memref_slice %arg9[%run_scoped3A_317, %dma_wait3A_450, %dma_wait3A_451] : memref<8x128x64xf32, #tpu.memory_space<vmem>> -> memref<1x128x64xf32, #tpu.memory_space<vmem>>
        %dma_wait3A_453 = tpu.memref_squeeze %dma_wait3A_452 : memref<1x128x64xf32, #tpu.memory_space<vmem>> -> memref<128x64xf32, #tpu.memory_space<vmem>>
        %dma_wait3A_454 = arith.constant 0 : i32
        %dma_wait3A_455 = tpu.memref_slice %arg8[%add3A_305, %dma_wait3A_454] : memref<80x128xi32, #tpu.memory_space<vmem>> -> memref<1x128xi32, #tpu.memory_space<vmem>>
        %dma_wait3A_456 = tpu.memref_squeeze %dma_wait3A_455 : memref<1x128xi32, #tpu.memory_space<vmem>> -> memref<128xi32, #tpu.memory_space<vmem>>
        %dma_wait3A_457 = arith.constant 0 : i32
        %dma_wait3A_458 = arith.constant 0 : i32
        %dma_wait3A_459 = tpu.memref_slice %arg10[%dma_wait3A_457, %dma_wait3A_458] : memref<10112x64xf32, #tpu.memory_space<vmem_shared>> -> memref<10112x64xf32, #tpu.memory_space<vmem_shared>>
        tpu.wait_indirect_dma semaphore(%run_scoped3A_439 : memref<!tpu.dma_semaphore, #tpu.memory_space<semaphore_mem>>) src(%dma_wait3A_453 : memref<128x64xf32, #tpu.memory_space<vmem>>) dst(%dma_wait3A_459 : memref<10112x64xf32, #tpu.memory_space<vmem_shared>>)
        tpu.yield
      }) : () -> ()
      %add3A_318 = arith.constant 8 : i32
      %add3A_319 = arith.addi %add3A_305, %add3A_318 : i32
      %dma_start3A_320 = arith.constant 3 : i32
      %dma_start3A_321 = arith.constant 0 : i32
      %dma_start3A_322 = arith.constant 0 : i32
      %dma_start3A_323 = tpu.memref_slice %arg9[%dma_start3A_320, %dma_start3A_321, %dma_start3A_322] : memref<8x128x64xf32, #tpu.memory_space<vmem>> -> memref<1x128x64xf32, #tpu.memory_space<vmem>>
      %dma_start3A_324 = tpu.memref_squeeze %dma_start3A_323 : memref<1x128x64xf32, #tpu.memory_space<vmem>> -> memref<128x64xf32, #tpu.memory_space<vmem>>
      %dma_start3A_325 = arith.constant 0 : i32
      %dma_start3A_326 = tpu.memref_slice %arg7[%add3A_319, %dma_start3A_325] : memref<80x128xi32, #tpu.memory_space<vmem>> -> memref<1x128xi32, #tpu.memory_space<vmem>>
      %dma_start3A_327 = tpu.memref_squeeze %dma_start3A_326 : memref<1x128xi32, #tpu.memory_space<vmem>> -> memref<128xi32, #tpu.memory_space<vmem>>
      %dma_start3A_328 = arith.constant 0 : i32
      %dma_start3A_329 = arith.constant 0 : i32
      %dma_start3A_330 = tpu.memref_slice %arg4[%dma_start3A_328, %dma_start3A_329] : memref<10112x64xf32, #tpu.memory_space<hbm>> -> memref<10112x64xf32, #tpu.memory_space<hbm>>
      tpu.enqueue_indirect_dma source(%dma_start3A_330 : memref<10112x64xf32, #tpu.memory_space<hbm>>) target(%dma_start3A_324 : memref<128x64xf32, #tpu.memory_space<vmem>>) offsets(%dma_start3A_327 : memref<128xi32, #tpu.memory_space<vmem>>) semaphore(%arg14 : memref<!tpu.dma_semaphore, #tpu.memory_space<semaphore_mem>>)
      %add3A_331 = arith.constant 4 : i32
      %add3A_332 = arith.addi %mul3A_222, %add3A_331 : i32
      %dma_wait3A_333 = arith.constant 4 : i32
      %dma_wait3A_334 = arith.constant 0 : i32
      %dma_wait3A_335 = arith.constant 0 : i32
      %dma_wait3A_336 = tpu.memref_slice %arg9[%dma_wait3A_333, %dma_wait3A_334, %dma_wait3A_335] : memref<8x128x64xf32, #tpu.memory_space<vmem>> -> memref<1x128x64xf32, #tpu.memory_space<vmem>>
      %dma_wait3A_337 = tpu.memref_squeeze %dma_wait3A_336 : memref<1x128x64xf32, #tpu.memory_space<vmem>> -> memref<128x64xf32, #tpu.memory_space<vmem>>
      %dma_wait3A_338 = arith.constant 0 : i32
      %dma_wait3A_339 = tpu.memref_slice %arg7[%add3A_332, %dma_wait3A_338] : memref<80x128xi32, #tpu.memory_space<vmem>> -> memref<1x128xi32, #tpu.memory_space<vmem>>
      %dma_wait3A_340 = tpu.memref_squeeze %dma_wait3A_339 : memref<1x128xi32, #tpu.memory_space<vmem>> -> memref<128xi32, #tpu.memory_space<vmem>>
      %dma_wait3A_341 = arith.constant 0 : i32
      %dma_wait3A_342 = arith.constant 0 : i32
      %dma_wait3A_343 = tpu.memref_slice %arg4[%dma_wait3A_341, %dma_wait3A_342] : memref<10112x64xf32, #tpu.memory_space<hbm>> -> memref<10112x64xf32, #tpu.memory_space<hbm>>
      tpu.wait_indirect_dma semaphore(%arg15 : memref<!tpu.dma_semaphore, #tpu.memory_space<semaphore_mem>>) src(%dma_wait3A_343 : memref<10112x64xf32, #tpu.memory_space<hbm>>) dst(%dma_wait3A_337 : memref<128x64xf32, #tpu.memory_space<vmem>>)
      %run_scoped3A_344 = arith.constant 4 : i32
      "tpu.region"() ({
        %run_scoped3A_439 = tpu.sem_alloc : memref<!tpu.dma_semaphore, #tpu.memory_space<semaphore_mem>>
        %dma_start3A_440 = arith.constant 0 : i32
        %dma_start3A_441 = arith.constant 0 : i32
        %dma_start3A_442 = tpu.memref_slice %arg9[%run_scoped3A_344, %dma_start3A_440, %dma_start3A_441] : memref<8x128x64xf32, #tpu.memory_space<vmem>> -> memref<1x128x64xf32, #tpu.memory_space<vmem>>
        %dma_start3A_443 = tpu.memref_squeeze %dma_start3A_442 : memref<1x128x64xf32, #tpu.memory_space<vmem>> -> memref<128x64xf32, #tpu.memory_space<vmem>>
        %dma_start3A_444 = arith.constant 0 : i32
        %dma_start3A_445 = tpu.memref_slice %arg8[%add3A_332, %dma_start3A_444] : memref<80x128xi32, #tpu.memory_space<vmem>> -> memref<1x128xi32, #tpu.memory_space<vmem>>
        %dma_start3A_446 = tpu.memref_squeeze %dma_start3A_445 : memref<1x128xi32, #tpu.memory_space<vmem>> -> memref<128xi32, #tpu.memory_space<vmem>>
        %dma_start3A_447 = arith.constant 0 : i32
        %dma_start3A_448 = arith.constant 0 : i32
        %dma_start3A_449 = tpu.memref_slice %arg10[%dma_start3A_447, %dma_start3A_448] : memref<10112x64xf32, #tpu.memory_space<vmem_shared>> -> memref<10112x64xf32, #tpu.memory_space<vmem_shared>>
        tpu.enqueue_indirect_dma source(%dma_start3A_443 : memref<128x64xf32, #tpu.memory_space<vmem>>) target(%dma_start3A_449 : memref<10112x64xf32, #tpu.memory_space<vmem_shared>>) offsets(%dma_start3A_446 : memref<128xi32, #tpu.memory_space<vmem>>) semaphore(%run_scoped3A_439 : memref<!tpu.dma_semaphore, #tpu.memory_space<semaphore_mem>>) {add = true}
        %dma_wait3A_450 = arith.constant 0 : i32
        %dma_wait3A_451 = arith.constant 0 : i32
        %dma_wait3A_452 = tpu.memref_slice %arg9[%run_scoped3A_344, %dma_wait3A_450, %dma_wait3A_451] : memref<8x128x64xf32, #tpu.memory_space<vmem>> -> memref<1x128x64xf32, #tpu.memory_space<vmem>>
        %dma_wait3A_453 = tpu.memref_squeeze %dma_wait3A_452 : memref<1x128x64xf32, #tpu.memory_space<vmem>> -> memref<128x64xf32, #tpu.memory_space<vmem>>
        %dma_wait3A_454 = arith.constant 0 : i32
        %dma_wait3A_455 = tpu.memref_slice %arg8[%add3A_332, %dma_wait3A_454] : memref<80x128xi32, #tpu.memory_space<vmem>> -> memref<1x128xi32, #tpu.memory_space<vmem>>
        %dma_wait3A_456 = tpu.memref_squeeze %dma_wait3A_455 : memref<1x128xi32, #tpu.memory_space<vmem>> -> memref<128xi32, #tpu.memory_space<vmem>>
        %dma_wait3A_457 = arith.constant 0 : i32
        %dma_wait3A_458 = arith.constant 0 : i32
        %dma_wait3A_459 = tpu.memref_slice %arg10[%dma_wait3A_457, %dma_wait3A_458] : memref<10112x64xf32, #tpu.memory_space<vmem_shared>> -> memref<10112x64xf32, #tpu.memory_space<vmem_shared>>
        tpu.wait_indirect_dma semaphore(%run_scoped3A_439 : memref<!tpu.dma_semaphore, #tpu.memory_space<semaphore_mem>>) src(%dma_wait3A_453 : memref<128x64xf32, #tpu.memory_space<vmem>>) dst(%dma_wait3A_459 : memref<10112x64xf32, #tpu.memory_space<vmem_shared>>)
        tpu.yield
      }) : () -> ()
      %add3A_345 = arith.constant 8 : i32
      %add3A_346 = arith.addi %add3A_332, %add3A_345 : i32
      %dma_start3A_347 = arith.constant 4 : i32
      %dma_start3A_348 = arith.constant 0 : i32
      %dma_start3A_349 = arith.constant 0 : i32
      %dma_start3A_350 = tpu.memref_slice %arg9[%dma_start3A_347, %dma_start3A_348, %dma_start3A_349] : memref<8x128x64xf32, #tpu.memory_space<vmem>> -> memref<1x128x64xf32, #tpu.memory_space<vmem>>
      %dma_start3A_351 = tpu.memref_squeeze %dma_start3A_350 : memref<1x128x64xf32, #tpu.memory_space<vmem>> -> memref<128x64xf32, #tpu.memory_space<vmem>>
      %dma_start3A_352 = arith.constant 0 : i32
      %dma_start3A_353 = tpu.memref_slice %arg7[%add3A_346, %dma_start3A_352] : memref<80x128xi32, #tpu.memory_space<vmem>> -> memref<1x128xi32, #tpu.memory_space<vmem>>
      %dma_start3A_354 = tpu.memref_squeeze %dma_start3A_353 : memref<1x128xi32, #tpu.memory_space<vmem>> -> memref<128xi32, #tpu.memory_space<vmem>>
      %dma_start3A_355 = arith.constant 0 : i32
      %dma_start3A_356 = arith.constant 0 : i32
      %dma_start3A_357 = tpu.memref_slice %arg4[%dma_start3A_355, %dma_start3A_356] : memref<10112x64xf32, #tpu.memory_space<hbm>> -> memref<10112x64xf32, #tpu.memory_space<hbm>>
      tpu.enqueue_indirect_dma source(%dma_start3A_357 : memref<10112x64xf32, #tpu.memory_space<hbm>>) target(%dma_start3A_351 : memref<128x64xf32, #tpu.memory_space<vmem>>) offsets(%dma_start3A_354 : memref<128xi32, #tpu.memory_space<vmem>>) semaphore(%arg15 : memref<!tpu.dma_semaphore, #tpu.memory_space<semaphore_mem>>)
      %add3A_358 = arith.constant 5 : i32
      %add3A_359 = arith.addi %mul3A_222, %add3A_358 : i32
      %dma_wait3A_360 = arith.constant 5 : i32
      %dma_wait3A_361 = arith.constant 0 : i32
      %dma_wait3A_362 = arith.constant 0 : i32
      %dma_wait3A_363 = tpu.memref_slice %arg9[%dma_wait3A_360, %dma_wait3A_361, %dma_wait3A_362] : memref<8x128x64xf32, #tpu.memory_space<vmem>> -> memref<1x128x64xf32, #tpu.memory_space<vmem>>
      %dma_wait3A_364 = tpu.memref_squeeze %dma_wait3A_363 : memref<1x128x64xf32, #tpu.memory_space<vmem>> -> memref<128x64xf32, #tpu.memory_space<vmem>>
      %dma_wait3A_365 = arith.constant 0 : i32
      %dma_wait3A_366 = tpu.memref_slice %arg7[%add3A_359, %dma_wait3A_365] : memref<80x128xi32, #tpu.memory_space<vmem>> -> memref<1x128xi32, #tpu.memory_space<vmem>>
      %dma_wait3A_367 = tpu.memref_squeeze %dma_wait3A_366 : memref<1x128xi32, #tpu.memory_space<vmem>> -> memref<128xi32, #tpu.memory_space<vmem>>
      %dma_wait3A_368 = arith.constant 0 : i32
      %dma_wait3A_369 = arith.constant 0 : i32
      %dma_wait3A_370 = tpu.memref_slice %arg4[%dma_wait3A_368, %dma_wait3A_369] : memref<10112x64xf32, #tpu.memory_space<hbm>> -> memref<10112x64xf32, #tpu.memory_space<hbm>>
      tpu.wait_indirect_dma semaphore(%arg16 : memref<!tpu.dma_semaphore, #tpu.memory_space<semaphore_mem>>) src(%dma_wait3A_370 : memref<10112x64xf32, #tpu.memory_space<hbm>>) dst(%dma_wait3A_364 : memref<128x64xf32, #tpu.memory_space<vmem>>)
      %run_scoped3A_371 = arith.constant 5 : i32
      "tpu.region"() ({
        %run_scoped3A_439 = tpu.sem_alloc : memref<!tpu.dma_semaphore, #tpu.memory_space<semaphore_mem>>
        %dma_start3A_440 = arith.constant 0 : i32
        %dma_start3A_441 = arith.constant 0 : i32
        %dma_start3A_442 = tpu.memref_slice %arg9[%run_scoped3A_371, %dma_start3A_440, %dma_start3A_441] : memref<8x128x64xf32, #tpu.memory_space<vmem>> -> memref<1x128x64xf32, #tpu.memory_space<vmem>>
        %dma_start3A_443 = tpu.memref_squeeze %dma_start3A_442 : memref<1x128x64xf32, #tpu.memory_space<vmem>> -> memref<128x64xf32, #tpu.memory_space<vmem>>
        %dma_start3A_444 = arith.constant 0 : i32
        %dma_start3A_445 = tpu.memref_slice %arg8[%add3A_359, %dma_start3A_444] : memref<80x128xi32, #tpu.memory_space<vmem>> -> memref<1x128xi32, #tpu.memory_space<vmem>>
        %dma_start3A_446 = tpu.memref_squeeze %dma_start3A_445 : memref<1x128xi32, #tpu.memory_space<vmem>> -> memref<128xi32, #tpu.memory_space<vmem>>
        %dma_start3A_447 = arith.constant 0 : i32
        %dma_start3A_448 = arith.constant 0 : i32
        %dma_start3A_449 = tpu.memref_slice %arg10[%dma_start3A_447, %dma_start3A_448] : memref<10112x64xf32, #tpu.memory_space<vmem_shared>> -> memref<10112x64xf32, #tpu.memory_space<vmem_shared>>
        tpu.enqueue_indirect_dma source(%dma_start3A_443 : memref<128x64xf32, #tpu.memory_space<vmem>>) target(%dma_start3A_449 : memref<10112x64xf32, #tpu.memory_space<vmem_shared>>) offsets(%dma_start3A_446 : memref<128xi32, #tpu.memory_space<vmem>>) semaphore(%run_scoped3A_439 : memref<!tpu.dma_semaphore, #tpu.memory_space<semaphore_mem>>) {add = true}
        %dma_wait3A_450 = arith.constant 0 : i32
        %dma_wait3A_451 = arith.constant 0 : i32
        %dma_wait3A_452 = tpu.memref_slice %arg9[%run_scoped3A_371, %dma_wait3A_450, %dma_wait3A_451] : memref<8x128x64xf32, #tpu.memory_space<vmem>> -> memref<1x128x64xf32, #tpu.memory_space<vmem>>
        %dma_wait3A_453 = tpu.memref_squeeze %dma_wait3A_452 : memref<1x128x64xf32, #tpu.memory_space<vmem>> -> memref<128x64xf32, #tpu.memory_space<vmem>>
        %dma_wait3A_454 = arith.constant 0 : i32
        %dma_wait3A_455 = tpu.memref_slice %arg8[%add3A_359, %dma_wait3A_454] : memref<80x128xi32, #tpu.memory_space<vmem>> -> memref<1x128xi32, #tpu.memory_space<vmem>>
        %dma_wait3A_456 = tpu.memref_squeeze %dma_wait3A_455 : memref<1x128xi32, #tpu.memory_space<vmem>> -> memref<128xi32, #tpu.memory_space<vmem>>
        %dma_wait3A_457 = arith.constant 0 : i32
        %dma_wait3A_458 = arith.constant 0 : i32
        %dma_wait3A_459 = tpu.memref_slice %arg10[%dma_wait3A_457, %dma_wait3A_458] : memref<10112x64xf32, #tpu.memory_space<vmem_shared>> -> memref<10112x64xf32, #tpu.memory_space<vmem_shared>>
        tpu.wait_indirect_dma semaphore(%run_scoped3A_439 : memref<!tpu.dma_semaphore, #tpu.memory_space<semaphore_mem>>) src(%dma_wait3A_453 : memref<128x64xf32, #tpu.memory_space<vmem>>) dst(%dma_wait3A_459 : memref<10112x64xf32, #tpu.memory_space<vmem_shared>>)
        tpu.yield
      }) : () -> ()
      %add3A_372 = arith.constant 8 : i32
      %add3A_373 = arith.addi %add3A_359, %add3A_372 : i32
      %dma_start3A_374 = arith.constant 5 : i32
      %dma_start3A_375 = arith.constant 0 : i32
      %dma_start3A_376 = arith.constant 0 : i32
      %dma_start3A_377 = tpu.memref_slice %arg9[%dma_start3A_374, %dma_start3A_375, %dma_start3A_376] : memref<8x128x64xf32, #tpu.memory_space<vmem>> -> memref<1x128x64xf32, #tpu.memory_space<vmem>>
      %dma_start3A_378 = tpu.memref_squeeze %dma_start3A_377 : memref<1x128x64xf32, #tpu.memory_space<vmem>> -> memref<128x64xf32, #tpu.memory_space<vmem>>
      %dma_start3A_379 = arith.constant 0 : i32
      %dma_start3A_380 = tpu.memref_slice %arg7[%add3A_373, %dma_start3A_379] : memref<80x128xi32, #tpu.memory_space<vmem>> -> memref<1x128xi32, #tpu.memory_space<vmem>>
      %dma_start3A_381 = tpu.memref_squeeze %dma_start3A_380 : memref<1x128xi32, #tpu.memory_space<vmem>> -> memref<128xi32, #tpu.memory_space<vmem>>
      %dma_start3A_382 = arith.constant 0 : i32
      %dma_start3A_383 = arith.constant 0 : i32
      %dma_start3A_384 = tpu.memref_slice %arg4[%dma_start3A_382, %dma_start3A_383] : memref<10112x64xf32, #tpu.memory_space<hbm>> -> memref<10112x64xf32, #tpu.memory_space<hbm>>
      tpu.enqueue_indirect_dma source(%dma_start3A_384 : memref<10112x64xf32, #tpu.memory_space<hbm>>) target(%dma_start3A_378 : memref<128x64xf32, #tpu.memory_space<vmem>>) offsets(%dma_start3A_381 : memref<128xi32, #tpu.memory_space<vmem>>) semaphore(%arg16 : memref<!tpu.dma_semaphore, #tpu.memory_space<semaphore_mem>>)
      %add3A_385 = arith.constant 6 : i32
      %add3A_386 = arith.addi %mul3A_222, %add3A_385 : i32
      %dma_wait3A_387 = arith.constant 6 : i32
      %dma_wait3A_388 = arith.constant 0 : i32
      %dma_wait3A_389 = arith.constant 0 : i32
      %dma_wait3A_390 = tpu.memref_slice %arg9[%dma_wait3A_387, %dma_wait3A_388, %dma_wait3A_389] : memref<8x128x64xf32, #tpu.memory_space<vmem>> -> memref<1x128x64xf32, #tpu.memory_space<vmem>>
      %dma_wait3A_391 = tpu.memref_squeeze %dma_wait3A_390 : memref<1x128x64xf32, #tpu.memory_space<vmem>> -> memref<128x64xf32, #tpu.memory_space<vmem>>
      %dma_wait3A_392 = arith.constant 0 : i32
      %dma_wait3A_393 = tpu.memref_slice %arg7[%add3A_386, %dma_wait3A_392] : memref<80x128xi32, #tpu.memory_space<vmem>> -> memref<1x128xi32, #tpu.memory_space<vmem>>
      %dma_wait3A_394 = tpu.memref_squeeze %dma_wait3A_393 : memref<1x128xi32, #tpu.memory_space<vmem>> -> memref<128xi32, #tpu.memory_space<vmem>>
      %dma_wait3A_395 = arith.constant 0 : i32
      %dma_wait3A_396 = arith.constant 0 : i32
      %dma_wait3A_397 = tpu.memref_slice %arg4[%dma_wait3A_395, %dma_wait3A_396] : memref<10112x64xf32, #tpu.memory_space<hbm>> -> memref<10112x64xf32, #tpu.memory_space<hbm>>
      tpu.wait_indirect_dma semaphore(%arg17 : memref<!tpu.dma_semaphore, #tpu.memory_space<semaphore_mem>>) src(%dma_wait3A_397 : memref<10112x64xf32, #tpu.memory_space<hbm>>) dst(%dma_wait3A_391 : memref<128x64xf32, #tpu.memory_space<vmem>>)
      %run_scoped3A_398 = arith.constant 6 : i32
      "tpu.region"() ({
        %run_scoped3A_439 = tpu.sem_alloc : memref<!tpu.dma_semaphore, #tpu.memory_space<semaphore_mem>>
        %dma_start3A_440 = arith.constant 0 : i32
        %dma_start3A_441 = arith.constant 0 : i32
        %dma_start3A_442 = tpu.memref_slice %arg9[%run_scoped3A_398, %dma_start3A_440, %dma_start3A_441] : memref<8x128x64xf32, #tpu.memory_space<vmem>> -> memref<1x128x64xf32, #tpu.memory_space<vmem>>
        %dma_start3A_443 = tpu.memref_squeeze %dma_start3A_442 : memref<1x128x64xf32, #tpu.memory_space<vmem>> -> memref<128x64xf32, #tpu.memory_space<vmem>>
        %dma_start3A_444 = arith.constant 0 : i32
        %dma_start3A_445 = tpu.memref_slice %arg8[%add3A_386, %dma_start3A_444] : memref<80x128xi32, #tpu.memory_space<vmem>> -> memref<1x128xi32, #tpu.memory_space<vmem>>
        %dma_start3A_446 = tpu.memref_squeeze %dma_start3A_445 : memref<1x128xi32, #tpu.memory_space<vmem>> -> memref<128xi32, #tpu.memory_space<vmem>>
        %dma_start3A_447 = arith.constant 0 : i32
        %dma_start3A_448 = arith.constant 0 : i32
        %dma_start3A_449 = tpu.memref_slice %arg10[%dma_start3A_447, %dma_start3A_448] : memref<10112x64xf32, #tpu.memory_space<vmem_shared>> -> memref<10112x64xf32, #tpu.memory_space<vmem_shared>>
        tpu.enqueue_indirect_dma source(%dma_start3A_443 : memref<128x64xf32, #tpu.memory_space<vmem>>) target(%dma_start3A_449 : memref<10112x64xf32, #tpu.memory_space<vmem_shared>>) offsets(%dma_start3A_446 : memref<128xi32, #tpu.memory_space<vmem>>) semaphore(%run_scoped3A_439 : memref<!tpu.dma_semaphore, #tpu.memory_space<semaphore_mem>>) {add = true}
        %dma_wait3A_450 = arith.constant 0 : i32
        %dma_wait3A_451 = arith.constant 0 : i32
        %dma_wait3A_452 = tpu.memref_slice %arg9[%run_scoped3A_398, %dma_wait3A_450, %dma_wait3A_451] : memref<8x128x64xf32, #tpu.memory_space<vmem>> -> memref<1x128x64xf32, #tpu.memory_space<vmem>>
        %dma_wait3A_453 = tpu.memref_squeeze %dma_wait3A_452 : memref<1x128x64xf32, #tpu.memory_space<vmem>> -> memref<128x64xf32, #tpu.memory_space<vmem>>
        %dma_wait3A_454 = arith.constant 0 : i32
        %dma_wait3A_455 = tpu.memref_slice %arg8[%add3A_386, %dma_wait3A_454] : memref<80x128xi32, #tpu.memory_space<vmem>> -> memref<1x128xi32, #tpu.memory_space<vmem>>
        %dma_wait3A_456 = tpu.memref_squeeze %dma_wait3A_455 : memref<1x128xi32, #tpu.memory_space<vmem>> -> memref<128xi32, #tpu.memory_space<vmem>>
        %dma_wait3A_457 = arith.constant 0 : i32
        %dma_wait3A_458 = arith.constant 0 : i32
        %dma_wait3A_459 = tpu.memref_slice %arg10[%dma_wait3A_457, %dma_wait3A_458] : memref<10112x64xf32, #tpu.memory_space<vmem_shared>> -> memref<10112x64xf32, #tpu.memory_space<vmem_shared>>
        tpu.wait_indirect_dma semaphore(%run_scoped3A_439 : memref<!tpu.dma_semaphore, #tpu.memory_space<semaphore_mem>>) src(%dma_wait3A_453 : memref<128x64xf32, #tpu.memory_space<vmem>>) dst(%dma_wait3A_459 : memref<10112x64xf32, #tpu.memory_space<vmem_shared>>)
        tpu.yield
      }) : () -> ()
      %add3A_399 = arith.constant 8 : i32
      %add3A_400 = arith.addi %add3A_386, %add3A_399 : i32
      %dma_start3A_401 = arith.constant 6 : i32
      %dma_start3A_402 = arith.constant 0 : i32
      %dma_start3A_403 = arith.constant 0 : i32
      %dma_start3A_404 = tpu.memref_slice %arg9[%dma_start3A_401, %dma_start3A_402, %dma_start3A_403] : memref<8x128x64xf32, #tpu.memory_space<vmem>> -> memref<1x128x64xf32, #tpu.memory_space<vmem>>
      %dma_start3A_405 = tpu.memref_squeeze %dma_start3A_404 : memref<1x128x64xf32, #tpu.memory_space<vmem>> -> memref<128x64xf32, #tpu.memory_space<vmem>>
      %dma_start3A_406 = arith.constant 0 : i32
      %dma_start3A_407 = tpu.memref_slice %arg7[%add3A_400, %dma_start3A_406] : memref<80x128xi32, #tpu.memory_space<vmem>> -> memref<1x128xi32, #tpu.memory_space<vmem>>
      %dma_start3A_408 = tpu.memref_squeeze %dma_start3A_407 : memref<1x128xi32, #tpu.memory_space<vmem>> -> memref<128xi32, #tpu.memory_space<vmem>>
      %dma_start3A_409 = arith.constant 0 : i32
      %dma_start3A_410 = arith.constant 0 : i32
      %dma_start3A_411 = tpu.memref_slice %arg4[%dma_start3A_409, %dma_start3A_410] : memref<10112x64xf32, #tpu.memory_space<hbm>> -> memref<10112x64xf32, #tpu.memory_space<hbm>>
      tpu.enqueue_indirect_dma source(%dma_start3A_411 : memref<10112x64xf32, #tpu.memory_space<hbm>>) target(%dma_start3A_405 : memref<128x64xf32, #tpu.memory_space<vmem>>) offsets(%dma_start3A_408 : memref<128xi32, #tpu.memory_space<vmem>>) semaphore(%arg17 : memref<!tpu.dma_semaphore, #tpu.memory_space<semaphore_mem>>)
      %add3A_412 = arith.constant 7 : i32
      %add3A_413 = arith.addi %mul3A_222, %add3A_412 : i32
      %dma_wait3A_414 = arith.constant 7 : i32
      %dma_wait3A_415 = arith.constant 0 : i32
      %dma_wait3A_416 = arith.constant 0 : i32
      %dma_wait3A_417 = tpu.memref_slice %arg9[%dma_wait3A_414, %dma_wait3A_415, %dma_wait3A_416] : memref<8x128x64xf32, #tpu.memory_space<vmem>> -> memref<1x128x64xf32, #tpu.memory_space<vmem>>
      %dma_wait3A_418 = tpu.memref_squeeze %dma_wait3A_417 : memref<1x128x64xf32, #tpu.memory_space<vmem>> -> memref<128x64xf32, #tpu.memory_space<vmem>>
      %dma_wait3A_419 = arith.constant 0 : i32
      %dma_wait3A_420 = tpu.memref_slice %arg7[%add3A_413, %dma_wait3A_419] : memref<80x128xi32, #tpu.memory_space<vmem>> -> memref<1x128xi32, #tpu.memory_space<vmem>>
      %dma_wait3A_421 = tpu.memref_squeeze %dma_wait3A_420 : memref<1x128xi32, #tpu.memory_space<vmem>> -> memref<128xi32, #tpu.memory_space<vmem>>
      %dma_wait3A_422 = arith.constant 0 : i32
      %dma_wait3A_423 = arith.constant 0 : i32
      %dma_wait3A_424 = tpu.memref_slice %arg4[%dma_wait3A_422, %dma_wait3A_423] : memref<10112x64xf32, #tpu.memory_space<hbm>> -> memref<10112x64xf32, #tpu.memory_space<hbm>>
      tpu.wait_indirect_dma semaphore(%arg18 : memref<!tpu.dma_semaphore, #tpu.memory_space<semaphore_mem>>) src(%dma_wait3A_424 : memref<10112x64xf32, #tpu.memory_space<hbm>>) dst(%dma_wait3A_418 : memref<128x64xf32, #tpu.memory_space<vmem>>)
      %run_scoped3A_425 = arith.constant 7 : i32
      "tpu.region"() ({
        %run_scoped3A_439 = tpu.sem_alloc : memref<!tpu.dma_semaphore, #tpu.memory_space<semaphore_mem>>
        %dma_start3A_440 = arith.constant 0 : i32
        %dma_start3A_441 = arith.constant 0 : i32
        %dma_start3A_442 = tpu.memref_slice %arg9[%run_scoped3A_425, %dma_start3A_440, %dma_start3A_441] : memref<8x128x64xf32, #tpu.memory_space<vmem>> -> memref<1x128x64xf32, #tpu.memory_space<vmem>>
        %dma_start3A_443 = tpu.memref_squeeze %dma_start3A_442 : memref<1x128x64xf32, #tpu.memory_space<vmem>> -> memref<128x64xf32, #tpu.memory_space<vmem>>
        %dma_start3A_444 = arith.constant 0 : i32
        %dma_start3A_445 = tpu.memref_slice %arg8[%add3A_413, %dma_start3A_444] : memref<80x128xi32, #tpu.memory_space<vmem>> -> memref<1x128xi32, #tpu.memory_space<vmem>>
        %dma_start3A_446 = tpu.memref_squeeze %dma_start3A_445 : memref<1x128xi32, #tpu.memory_space<vmem>> -> memref<128xi32, #tpu.memory_space<vmem>>
        %dma_start3A_447 = arith.constant 0 : i32
        %dma_start3A_448 = arith.constant 0 : i32
        %dma_start3A_449 = tpu.memref_slice %arg10[%dma_start3A_447, %dma_start3A_448] : memref<10112x64xf32, #tpu.memory_space<vmem_shared>> -> memref<10112x64xf32, #tpu.memory_space<vmem_shared>>
        tpu.enqueue_indirect_dma source(%dma_start3A_443 : memref<128x64xf32, #tpu.memory_space<vmem>>) target(%dma_start3A_449 : memref<10112x64xf32, #tpu.memory_space<vmem_shared>>) offsets(%dma_start3A_446 : memref<128xi32, #tpu.memory_space<vmem>>) semaphore(%run_scoped3A_439 : memref<!tpu.dma_semaphore, #tpu.memory_space<semaphore_mem>>) {add = true}
        %dma_wait3A_450 = arith.constant 0 : i32
        %dma_wait3A_451 = arith.constant 0 : i32
        %dma_wait3A_452 = tpu.memref_slice %arg9[%run_scoped3A_425, %dma_wait3A_450, %dma_wait3A_451] : memref<8x128x64xf32, #tpu.memory_space<vmem>> -> memref<1x128x64xf32, #tpu.memory_space<vmem>>
        %dma_wait3A_453 = tpu.memref_squeeze %dma_wait3A_452 : memref<1x128x64xf32, #tpu.memory_space<vmem>> -> memref<128x64xf32, #tpu.memory_space<vmem>>
        %dma_wait3A_454 = arith.constant 0 : i32
        %dma_wait3A_455 = tpu.memref_slice %arg8[%add3A_413, %dma_wait3A_454] : memref<80x128xi32, #tpu.memory_space<vmem>> -> memref<1x128xi32, #tpu.memory_space<vmem>>
        %dma_wait3A_456 = tpu.memref_squeeze %dma_wait3A_455 : memref<1x128xi32, #tpu.memory_space<vmem>> -> memref<128xi32, #tpu.memory_space<vmem>>
        %dma_wait3A_457 = arith.constant 0 : i32
        %dma_wait3A_458 = arith.constant 0 : i32
        %dma_wait3A_459 = tpu.memref_slice %arg10[%dma_wait3A_457, %dma_wait3A_458] : memref<10112x64xf32, #tpu.memory_space<vmem_shared>> -> memref<10112x64xf32, #tpu.memory_space<vmem_shared>>
        tpu.wait_indirect_dma semaphore(%run_scoped3A_439 : memref<!tpu.dma_semaphore, #tpu.memory_space<semaphore_mem>>) src(%dma_wait3A_453 : memref<128x64xf32, #tpu.memory_space<vmem>>) dst(%dma_wait3A_459 : memref<10112x64xf32, #tpu.memory_space<vmem_shared>>)
        tpu.yield
      }) : () -> ()
      %add3A_426 = arith.constant 8 : i32
      %add3A_427 = arith.addi %add3A_413, %add3A_426 : i32
      %dma_start3A_428 = arith.constant 7 : i32
      %dma_start3A_429 = arith.constant 0 : i32
      %dma_start3A_430 = arith.constant 0 : i32
      %dma_start3A_431 = tpu.memref_slice %arg9[%dma_start3A_428, %dma_start3A_429, %dma_start3A_430] : memref<8x128x64xf32, #tpu.memory_space<vmem>> -> memref<1x128x64xf32, #tpu.memory_space<vmem>>
      %dma_start3A_432 = tpu.memref_squeeze %dma_start3A_431 : memref<1x128x64xf32, #tpu.memory_space<vmem>> -> memref<128x64xf32, #tpu.memory_space<vmem>>
      %dma_start3A_433 = arith.constant 0 : i32
      %dma_start3A_434 = tpu.memref_slice %arg7[%add3A_427, %dma_start3A_433] : memref<80x128xi32, #tpu.memory_space<vmem>> -> memref<1x128xi32, #tpu.memory_space<vmem>>
      %dma_start3A_435 = tpu.memref_squeeze %dma_start3A_434 : memref<1x128xi32, #tpu.memory_space<vmem>> -> memref<128xi32, #tpu.memory_space<vmem>>
      %dma_start3A_436 = arith.constant 0 : i32
      %dma_start3A_437 = arith.constant 0 : i32
      %dma_start3A_438 = tpu.memref_slice %arg4[%dma_start3A_436, %dma_start3A_437] : memref<10112x64xf32, #tpu.memory_space<hbm>> -> memref<10112x64xf32, #tpu.memory_space<hbm>>
      tpu.enqueue_indirect_dma source(%dma_start3A_438 : memref<10112x64xf32, #tpu.memory_space<hbm>>) target(%dma_start3A_432 : memref<128x64xf32, #tpu.memory_space<vmem>>) offsets(%dma_start3A_435 : memref<128xi32, #tpu.memory_space<vmem>>) semaphore(%arg18 : memref<!tpu.dma_semaphore, #tpu.memory_space<semaphore_mem>>)
    }
    %scan3A_108 = arith.constant 9 : i32
    %dma_wait3A = arith.constant 72 : i32
    %dma_wait3A_109 = arith.constant 0 : i32
    %dma_wait3A_110 = arith.constant 0 : i32
    %dma_wait3A_111 = arith.constant 0 : i32
    %dma_wait3A_112 = tpu.memref_slice %arg9[%dma_wait3A_109, %dma_wait3A_110, %dma_wait3A_111] : memref<8x128x64xf32, #tpu.memory_space<vmem>> -> memref<1x128x64xf32, #tpu.memory_space<vmem>>
    %dma_wait3A_113 = tpu.memref_squeeze %dma_wait3A_112 : memref<1x128x64xf32, #tpu.memory_space<vmem>> -> memref<128x64xf32, #tpu.memory_space<vmem>>
    %dma_wait3A_114 = arith.constant 0 : i32
    %dma_wait3A_115 = tpu.memref_slice %arg7[%dma_wait3A, %dma_wait3A_114] : memref<80x128xi32, #tpu.memory_space<vmem>> -> memref<1x128xi32, #tpu.memory_space<vmem>>
    %dma_wait3A_116 = tpu.memref_squeeze %dma_wait3A_115 : memref<1x128xi32, #tpu.memory_space<vmem>> -> memref<128xi32, #tpu.memory_space<vmem>>
    %dma_wait3A_117 = arith.constant 0 : i32
    %dma_wait3A_118 = arith.constant 0 : i32
    %dma_wait3A_119 = tpu.memref_slice %arg4[%dma_wait3A_117, %dma_wait3A_118] : memref<10112x64xf32, #tpu.memory_space<hbm>> -> memref<10112x64xf32, #tpu.memory_space<hbm>>
    tpu.wait_indirect_dma semaphore(%arg11 : memref<!tpu.dma_semaphore, #tpu.memory_space<semaphore_mem>>) src(%dma_wait3A_119 : memref<10112x64xf32, #tpu.memory_space<hbm>>) dst(%dma_wait3A_113 : memref<128x64xf32, #tpu.memory_space<vmem>>)
    %run_scoped3A = arith.constant 0 : i32
    %run_scoped3A_120 = arith.constant 72 : i32
    "tpu.region"() ({
      %run_scoped3A_220 = tpu.sem_alloc : memref<!tpu.dma_semaphore, #tpu.memory_space<semaphore_mem>>
      %dma_start3A_221 = arith.constant 0 : i32
      %dma_start3A_222 = arith.constant 0 : i32
      %dma_start3A_223 = tpu.memref_slice %arg9[%run_scoped3A, %dma_start3A_221, %dma_start3A_222] : memref<8x128x64xf32, #tpu.memory_space<vmem>> -> memref<1x128x64xf32, #tpu.memory_space<vmem>>
      %dma_start3A_224 = tpu.memref_squeeze %dma_start3A_223 : memref<1x128x64xf32, #tpu.memory_space<vmem>> -> memref<128x64xf32, #tpu.memory_space<vmem>>
      %dma_start3A_225 = arith.constant 0 : i32
      %dma_start3A_226 = tpu.memref_slice %arg8[%run_scoped3A_120, %dma_start3A_225] : memref<80x128xi32, #tpu.memory_space<vmem>> -> memref<1x128xi32, #tpu.memory_space<vmem>>
      %dma_start3A_227 = tpu.memref_squeeze %dma_start3A_226 : memref<1x128xi32, #tpu.memory_space<vmem>> -> memref<128xi32, #tpu.memory_space<vmem>>
      %dma_start3A_228 = arith.constant 0 : i32
      %dma_start3A_229 = arith.constant 0 : i32
      %dma_start3A_230 = tpu.memref_slice %arg10[%dma_start3A_228, %dma_start3A_229] : memref<10112x64xf32, #tpu.memory_space<vmem_shared>> -> memref<10112x64xf32, #tpu.memory_space<vmem_shared>>
      tpu.enqueue_indirect_dma source(%dma_start3A_224 : memref<128x64xf32, #tpu.memory_space<vmem>>) target(%dma_start3A_230 : memref<10112x64xf32, #tpu.memory_space<vmem_shared>>) offsets(%dma_start3A_227 : memref<128xi32, #tpu.memory_space<vmem>>) semaphore(%run_scoped3A_220 : memref<!tpu.dma_semaphore, #tpu.memory_space<semaphore_mem>>) {add = true}
      %dma_wait3A_231 = arith.constant 0 : i32
      %dma_wait3A_232 = arith.constant 0 : i32
      %dma_wait3A_233 = tpu.memref_slice %arg9[%run_scoped3A, %dma_wait3A_231, %dma_wait3A_232] : memref<8x128x64xf32, #tpu.memory_space<vmem>> -> memref<1x128x64xf32, #tpu.memory_space<vmem>>
      %dma_wait3A_234 = tpu.memref_squeeze %dma_wait3A_233 : memref<1x128x64xf32, #tpu.memory_space<vmem>> -> memref<128x64xf32, #tpu.memory_space<vmem>>
      %dma_wait3A_235 = arith.constant 0 : i32
      %dma_wait3A_236 = tpu.memref_slice %arg8[%run_scoped3A_120, %dma_wait3A_235] : memref<80x128xi32, #tpu.memory_space<vmem>> -> memref<1x128xi32, #tpu.memory_space<vmem>>
      %dma_wait3A_237 = tpu.memref_squeeze %dma_wait3A_236 : memref<1x128xi32, #tpu.memory_space<vmem>> -> memref<128xi32, #tpu.memory_space<vmem>>
      %dma_wait3A_238 = arith.constant 0 : i32
      %dma_wait3A_239 = arith.constant 0 : i32
      %dma_wait3A_240 = tpu.memref_slice %arg10[%dma_wait3A_238, %dma_wait3A_239] : memref<10112x64xf32, #tpu.memory_space<vmem_shared>> -> memref<10112x64xf32, #tpu.memory_space<vmem_shared>>
      tpu.wait_indirect_dma semaphore(%run_scoped3A_220 : memref<!tpu.dma_semaphore, #tpu.memory_space<semaphore_mem>>) src(%dma_wait3A_234 : memref<128x64xf32, #tpu.memory_space<vmem>>) dst(%dma_wait3A_240 : memref<10112x64xf32, #tpu.memory_space<vmem_shared>>)
      tpu.yield
    }) : () -> ()
    %dma_wait3A_121 = arith.constant 73 : i32
    %dma_wait3A_122 = arith.constant 1 : i32
    %dma_wait3A_123 = arith.constant 0 : i32
    %dma_wait3A_124 = arith.constant 0 : i32
    %dma_wait3A_125 = tpu.memref_slice %arg9[%dma_wait3A_122, %dma_wait3A_123, %dma_wait3A_124] : memref<8x128x64xf32, #tpu.memory_space<vmem>> -> memref<1x128x64xf32, #tpu.memory_space<vmem>>
    %dma_wait3A_126 = tpu.memref_squeeze %dma_wait3A_125 : memref<1x128x64xf32, #tpu.memory_space<vmem>> -> memref<128x64xf32, #tpu.memory_space<vmem>>
    %dma_wait3A_127 = arith.constant 0 : i32
    %dma_wait3A_128 = tpu.memref_slice %arg7[%dma_wait3A_121, %dma_wait3A_127] : memref<80x128xi32, #tpu.memory_space<vmem>> -> memref<1x128xi32, #tpu.memory_space<vmem>>
    %dma_wait3A_129 = tpu.memref_squeeze %dma_wait3A_128 : memref<1x128xi32, #tpu.memory_space<vmem>> -> memref<128xi32, #tpu.memory_space<vmem>>
    %dma_wait3A_130 = arith.constant 0 : i32
    %dma_wait3A_131 = arith.constant 0 : i32
    %dma_wait3A_132 = tpu.memref_slice %arg4[%dma_wait3A_130, %dma_wait3A_131] : memref<10112x64xf32, #tpu.memory_space<hbm>> -> memref<10112x64xf32, #tpu.memory_space<hbm>>
    tpu.wait_indirect_dma semaphore(%arg12 : memref<!tpu.dma_semaphore, #tpu.memory_space<semaphore_mem>>) src(%dma_wait3A_132 : memref<10112x64xf32, #tpu.memory_space<hbm>>) dst(%dma_wait3A_126 : memref<128x64xf32, #tpu.memory_space<vmem>>)
    %run_scoped3A_133 = arith.constant 1 : i32
    %run_scoped3A_134 = arith.constant 73 : i32
    "tpu.region"() ({
      %run_scoped3A_220 = tpu.sem_alloc : memref<!tpu.dma_semaphore, #tpu.memory_space<semaphore_mem>>
      %dma_start3A_221 = arith.constant 0 : i32
      %dma_start3A_222 = arith.constant 0 : i32
      %dma_start3A_223 = tpu.memref_slice %arg9[%run_scoped3A_133, %dma_start3A_221, %dma_start3A_222] : memref<8x128x64xf32, #tpu.memory_space<vmem>> -> memref<1x128x64xf32, #tpu.memory_space<vmem>>
      %dma_start3A_224 = tpu.memref_squeeze %dma_start3A_223 : memref<1x128x64xf32, #tpu.memory_space<vmem>> -> memref<128x64xf32, #tpu.memory_space<vmem>>
      %dma_start3A_225 = arith.constant 0 : i32
      %dma_start3A_226 = tpu.memref_slice %arg8[%run_scoped3A_134, %dma_start3A_225] : memref<80x128xi32, #tpu.memory_space<vmem>> -> memref<1x128xi32, #tpu.memory_space<vmem>>
      %dma_start3A_227 = tpu.memref_squeeze %dma_start3A_226 : memref<1x128xi32, #tpu.memory_space<vmem>> -> memref<128xi32, #tpu.memory_space<vmem>>
      %dma_start3A_228 = arith.constant 0 : i32
      %dma_start3A_229 = arith.constant 0 : i32
      %dma_start3A_230 = tpu.memref_slice %arg10[%dma_start3A_228, %dma_start3A_229] : memref<10112x64xf32, #tpu.memory_space<vmem_shared>> -> memref<10112x64xf32, #tpu.memory_space<vmem_shared>>
      tpu.enqueue_indirect_dma source(%dma_start3A_224 : memref<128x64xf32, #tpu.memory_space<vmem>>) target(%dma_start3A_230 : memref<10112x64xf32, #tpu.memory_space<vmem_shared>>) offsets(%dma_start3A_227 : memref<128xi32, #tpu.memory_space<vmem>>) semaphore(%run_scoped3A_220 : memref<!tpu.dma_semaphore, #tpu.memory_space<semaphore_mem>>) {add = true}
      %dma_wait3A_231 = arith.constant 0 : i32
      %dma_wait3A_232 = arith.constant 0 : i32
      %dma_wait3A_233 = tpu.memref_slice %arg9[%run_scoped3A_133, %dma_wait3A_231, %dma_wait3A_232] : memref<8x128x64xf32, #tpu.memory_space<vmem>> -> memref<1x128x64xf32, #tpu.memory_space<vmem>>
      %dma_wait3A_234 = tpu.memref_squeeze %dma_wait3A_233 : memref<1x128x64xf32, #tpu.memory_space<vmem>> -> memref<128x64xf32, #tpu.memory_space<vmem>>
      %dma_wait3A_235 = arith.constant 0 : i32
      %dma_wait3A_236 = tpu.memref_slice %arg8[%run_scoped3A_134, %dma_wait3A_235] : memref<80x128xi32, #tpu.memory_space<vmem>> -> memref<1x128xi32, #tpu.memory_space<vmem>>
      %dma_wait3A_237 = tpu.memref_squeeze %dma_wait3A_236 : memref<1x128xi32, #tpu.memory_space<vmem>> -> memref<128xi32, #tpu.memory_space<vmem>>
      %dma_wait3A_238 = arith.constant 0 : i32
      %dma_wait3A_239 = arith.constant 0 : i32
      %dma_wait3A_240 = tpu.memref_slice %arg10[%dma_wait3A_238, %dma_wait3A_239] : memref<10112x64xf32, #tpu.memory_space<vmem_shared>> -> memref<10112x64xf32, #tpu.memory_space<vmem_shared>>
      tpu.wait_indirect_dma semaphore(%run_scoped3A_220 : memref<!tpu.dma_semaphore, #tpu.memory_space<semaphore_mem>>) src(%dma_wait3A_234 : memref<128x64xf32, #tpu.memory_space<vmem>>) dst(%dma_wait3A_240 : memref<10112x64xf32, #tpu.memory_space<vmem_shared>>)
      tpu.yield
    }) : () -> ()
    %dma_wait3A_135 = arith.constant 74 : i32
    %dma_wait3A_136 = arith.constant 2 : i32
    %dma_wait3A_137 = arith.constant 0 : i32
    %dma_wait3A_138 = arith.constant 0 : i32
    %dma_wait3A_139 = tpu.memref_slice %arg9[%dma_wait3A_136, %dma_wait3A_137, %dma_wait3A_138] : memref<8x128x64xf32, #tpu.memory_space<vmem>> -> memref<1x128x64xf32, #tpu.memory_space<vmem>>
    %dma_wait3A_140 = tpu.memref_squeeze %dma_wait3A_139 : memref<1x128x64xf32, #tpu.memory_space<vmem>> -> memref<128x64xf32, #tpu.memory_space<vmem>>
    %dma_wait3A_141 = arith.constant 0 : i32
    %dma_wait3A_142 = tpu.memref_slice %arg7[%dma_wait3A_135, %dma_wait3A_141] : memref<80x128xi32, #tpu.memory_space<vmem>> -> memref<1x128xi32, #tpu.memory_space<vmem>>
    %dma_wait3A_143 = tpu.memref_squeeze %dma_wait3A_142 : memref<1x128xi32, #tpu.memory_space<vmem>> -> memref<128xi32, #tpu.memory_space<vmem>>
    %dma_wait3A_144 = arith.constant 0 : i32
    %dma_wait3A_145 = arith.constant 0 : i32
    %dma_wait3A_146 = tpu.memref_slice %arg4[%dma_wait3A_144, %dma_wait3A_145] : memref<10112x64xf32, #tpu.memory_space<hbm>> -> memref<10112x64xf32, #tpu.memory_space<hbm>>
    tpu.wait_indirect_dma semaphore(%arg13 : memref<!tpu.dma_semaphore, #tpu.memory_space<semaphore_mem>>) src(%dma_wait3A_146 : memref<10112x64xf32, #tpu.memory_space<hbm>>) dst(%dma_wait3A_140 : memref<128x64xf32, #tpu.memory_space<vmem>>)
    %run_scoped3A_147 = arith.constant 2 : i32
    %run_scoped3A_148 = arith.constant 74 : i32
    "tpu.region"() ({
      %run_scoped3A_220 = tpu.sem_alloc : memref<!tpu.dma_semaphore, #tpu.memory_space<semaphore_mem>>
      %dma_start3A_221 = arith.constant 0 : i32
      %dma_start3A_222 = arith.constant 0 : i32
      %dma_start3A_223 = tpu.memref_slice %arg9[%run_scoped3A_147, %dma_start3A_221, %dma_start3A_222] : memref<8x128x64xf32, #tpu.memory_space<vmem>> -> memref<1x128x64xf32, #tpu.memory_space<vmem>>
      %dma_start3A_224 = tpu.memref_squeeze %dma_start3A_223 : memref<1x128x64xf32, #tpu.memory_space<vmem>> -> memref<128x64xf32, #tpu.memory_space<vmem>>
      %dma_start3A_225 = arith.constant 0 : i32
      %dma_start3A_226 = tpu.memref_slice %arg8[%run_scoped3A_148, %dma_start3A_225] : memref<80x128xi32, #tpu.memory_space<vmem>> -> memref<1x128xi32, #tpu.memory_space<vmem>>
      %dma_start3A_227 = tpu.memref_squeeze %dma_start3A_226 : memref<1x128xi32, #tpu.memory_space<vmem>> -> memref<128xi32, #tpu.memory_space<vmem>>
      %dma_start3A_228 = arith.constant 0 : i32
      %dma_start3A_229 = arith.constant 0 : i32
      %dma_start3A_230 = tpu.memref_slice %arg10[%dma_start3A_228, %dma_start3A_229] : memref<10112x64xf32, #tpu.memory_space<vmem_shared>> -> memref<10112x64xf32, #tpu.memory_space<vmem_shared>>
      tpu.enqueue_indirect_dma source(%dma_start3A_224 : memref<128x64xf32, #tpu.memory_space<vmem>>) target(%dma_start3A_230 : memref<10112x64xf32, #tpu.memory_space<vmem_shared>>) offsets(%dma_start3A_227 : memref<128xi32, #tpu.memory_space<vmem>>) semaphore(%run_scoped3A_220 : memref<!tpu.dma_semaphore, #tpu.memory_space<semaphore_mem>>) {add = true}
      %dma_wait3A_231 = arith.constant 0 : i32
      %dma_wait3A_232 = arith.constant 0 : i32
      %dma_wait3A_233 = tpu.memref_slice %arg9[%run_scoped3A_147, %dma_wait3A_231, %dma_wait3A_232] : memref<8x128x64xf32, #tpu.memory_space<vmem>> -> memref<1x128x64xf32, #tpu.memory_space<vmem>>
      %dma_wait3A_234 = tpu.memref_squeeze %dma_wait3A_233 : memref<1x128x64xf32, #tpu.memory_space<vmem>> -> memref<128x64xf32, #tpu.memory_space<vmem>>
      %dma_wait3A_235 = arith.constant 0 : i32
      %dma_wait3A_236 = tpu.memref_slice %arg8[%run_scoped3A_148, %dma_wait3A_235] : memref<80x128xi32, #tpu.memory_space<vmem>> -> memref<1x128xi32, #tpu.memory_space<vmem>>
      %dma_wait3A_237 = tpu.memref_squeeze %dma_wait3A_236 : memref<1x128xi32, #tpu.memory_space<vmem>> -> memref<128xi32, #tpu.memory_space<vmem>>
      %dma_wait3A_238 = arith.constant 0 : i32
      %dma_wait3A_239 = arith.constant 0 : i32
      %dma_wait3A_240 = tpu.memref_slice %arg10[%dma_wait3A_238, %dma_wait3A_239] : memref<10112x64xf32, #tpu.memory_space<vmem_shared>> -> memref<10112x64xf32, #tpu.memory_space<vmem_shared>>
      tpu.wait_indirect_dma semaphore(%run_scoped3A_220 : memref<!tpu.dma_semaphore, #tpu.memory_space<semaphore_mem>>) src(%dma_wait3A_234 : memref<128x64xf32, #tpu.memory_space<vmem>>) dst(%dma_wait3A_240 : memref<10112x64xf32, #tpu.memory_space<vmem_shared>>)
      tpu.yield
    }) : () -> ()
    %dma_wait3A_149 = arith.constant 75 : i32
    %dma_wait3A_150 = arith.constant 3 : i32
    %dma_wait3A_151 = arith.constant 0 : i32
    %dma_wait3A_152 = arith.constant 0 : i32
    %dma_wait3A_153 = tpu.memref_slice %arg9[%dma_wait3A_150, %dma_wait3A_151, %dma_wait3A_152] : memref<8x128x64xf32, #tpu.memory_space<vmem>> -> memref<1x128x64xf32, #tpu.memory_space<vmem>>
    %dma_wait3A_154 = tpu.memref_squeeze %dma_wait3A_153 : memref<1x128x64xf32, #tpu.memory_space<vmem>> -> memref<128x64xf32, #tpu.memory_space<vmem>>
    %dma_wait3A_155 = arith.constant 0 : i32
    %dma_wait3A_156 = tpu.memref_slice %arg7[%dma_wait3A_149, %dma_wait3A_155] : memref<80x128xi32, #tpu.memory_space<vmem>> -> memref<1x128xi32, #tpu.memory_space<vmem>>
    %dma_wait3A_157 = tpu.memref_squeeze %dma_wait3A_156 : memref<1x128xi32, #tpu.memory_space<vmem>> -> memref<128xi32, #tpu.memory_space<vmem>>
    %dma_wait3A_158 = arith.constant 0 : i32
    %dma_wait3A_159 = arith.constant 0 : i32
    %dma_wait3A_160 = tpu.memref_slice %arg4[%dma_wait3A_158, %dma_wait3A_159] : memref<10112x64xf32, #tpu.memory_space<hbm>> -> memref<10112x64xf32, #tpu.memory_space<hbm>>
    tpu.wait_indirect_dma semaphore(%arg14 : memref<!tpu.dma_semaphore, #tpu.memory_space<semaphore_mem>>) src(%dma_wait3A_160 : memref<10112x64xf32, #tpu.memory_space<hbm>>) dst(%dma_wait3A_154 : memref<128x64xf32, #tpu.memory_space<vmem>>)
    %run_scoped3A_161 = arith.constant 3 : i32
    %run_scoped3A_162 = arith.constant 75 : i32
    "tpu.region"() ({
      %run_scoped3A_220 = tpu.sem_alloc : memref<!tpu.dma_semaphore, #tpu.memory_space<semaphore_mem>>
      %dma_start3A_221 = arith.constant 0 : i32
      %dma_start3A_222 = arith.constant 0 : i32
      %dma_start3A_223 = tpu.memref_slice %arg9[%run_scoped3A_161, %dma_start3A_221, %dma_start3A_222] : memref<8x128x64xf32, #tpu.memory_space<vmem>> -> memref<1x128x64xf32, #tpu.memory_space<vmem>>
      %dma_start3A_224 = tpu.memref_squeeze %dma_start3A_223 : memref<1x128x64xf32, #tpu.memory_space<vmem>> -> memref<128x64xf32, #tpu.memory_space<vmem>>
      %dma_start3A_225 = arith.constant 0 : i32
      %dma_start3A_226 = tpu.memref_slice %arg8[%run_scoped3A_162, %dma_start3A_225] : memref<80x128xi32, #tpu.memory_space<vmem>> -> memref<1x128xi32, #tpu.memory_space<vmem>>
      %dma_start3A_227 = tpu.memref_squeeze %dma_start3A_226 : memref<1x128xi32, #tpu.memory_space<vmem>> -> memref<128xi32, #tpu.memory_space<vmem>>
      %dma_start3A_228 = arith.constant 0 : i32
      %dma_start3A_229 = arith.constant 0 : i32
      %dma_start3A_230 = tpu.memref_slice %arg10[%dma_start3A_228, %dma_start3A_229] : memref<10112x64xf32, #tpu.memory_space<vmem_shared>> -> memref<10112x64xf32, #tpu.memory_space<vmem_shared>>
      tpu.enqueue_indirect_dma source(%dma_start3A_224 : memref<128x64xf32, #tpu.memory_space<vmem>>) target(%dma_start3A_230 : memref<10112x64xf32, #tpu.memory_space<vmem_shared>>) offsets(%dma_start3A_227 : memref<128xi32, #tpu.memory_space<vmem>>) semaphore(%run_scoped3A_220 : memref<!tpu.dma_semaphore, #tpu.memory_space<semaphore_mem>>) {add = true}
      %dma_wait3A_231 = arith.constant 0 : i32
      %dma_wait3A_232 = arith.constant 0 : i32
      %dma_wait3A_233 = tpu.memref_slice %arg9[%run_scoped3A_161, %dma_wait3A_231, %dma_wait3A_232] : memref<8x128x64xf32, #tpu.memory_space<vmem>> -> memref<1x128x64xf32, #tpu.memory_space<vmem>>
      %dma_wait3A_234 = tpu.memref_squeeze %dma_wait3A_233 : memref<1x128x64xf32, #tpu.memory_space<vmem>> -> memref<128x64xf32, #tpu.memory_space<vmem>>
      %dma_wait3A_235 = arith.constant 0 : i32
      %dma_wait3A_236 = tpu.memref_slice %arg8[%run_scoped3A_162, %dma_wait3A_235] : memref<80x128xi32, #tpu.memory_space<vmem>> -> memref<1x128xi32, #tpu.memory_space<vmem>>
      %dma_wait3A_237 = tpu.memref_squeeze %dma_wait3A_236 : memref<1x128xi32, #tpu.memory_space<vmem>> -> memref<128xi32, #tpu.memory_space<vmem>>
      %dma_wait3A_238 = arith.constant 0 : i32
      %dma_wait3A_239 = arith.constant 0 : i32
      %dma_wait3A_240 = tpu.memref_slice %arg10[%dma_wait3A_238, %dma_wait3A_239] : memref<10112x64xf32, #tpu.memory_space<vmem_shared>> -> memref<10112x64xf32, #tpu.memory_space<vmem_shared>>
      tpu.wait_indirect_dma semaphore(%run_scoped3A_220 : memref<!tpu.dma_semaphore, #tpu.memory_space<semaphore_mem>>) src(%dma_wait3A_234 : memref<128x64xf32, #tpu.memory_space<vmem>>) dst(%dma_wait3A_240 : memref<10112x64xf32, #tpu.memory_space<vmem_shared>>)
      tpu.yield
    }) : () -> ()
    %dma_wait3A_163 = arith.constant 76 : i32
    %dma_wait3A_164 = arith.constant 4 : i32
    %dma_wait3A_165 = arith.constant 0 : i32
    %dma_wait3A_166 = arith.constant 0 : i32
    %dma_wait3A_167 = tpu.memref_slice %arg9[%dma_wait3A_164, %dma_wait3A_165, %dma_wait3A_166] : memref<8x128x64xf32, #tpu.memory_space<vmem>> -> memref<1x128x64xf32, #tpu.memory_space<vmem>>
    %dma_wait3A_168 = tpu.memref_squeeze %dma_wait3A_167 : memref<1x128x64xf32, #tpu.memory_space<vmem>> -> memref<128x64xf32, #tpu.memory_space<vmem>>
    %dma_wait3A_169 = arith.constant 0 : i32
    %dma_wait3A_170 = tpu.memref_slice %arg7[%dma_wait3A_163, %dma_wait3A_169] : memref<80x128xi32, #tpu.memory_space<vmem>> -> memref<1x128xi32, #tpu.memory_space<vmem>>
    %dma_wait3A_171 = tpu.memref_squeeze %dma_wait3A_170 : memref<1x128xi32, #tpu.memory_space<vmem>> -> memref<128xi32, #tpu.memory_space<vmem>>
    %dma_wait3A_172 = arith.constant 0 : i32
    %dma_wait3A_173 = arith.constant 0 : i32
    %dma_wait3A_174 = tpu.memref_slice %arg4[%dma_wait3A_172, %dma_wait3A_173] : memref<10112x64xf32, #tpu.memory_space<hbm>> -> memref<10112x64xf32, #tpu.memory_space<hbm>>
    tpu.wait_indirect_dma semaphore(%arg15 : memref<!tpu.dma_semaphore, #tpu.memory_space<semaphore_mem>>) src(%dma_wait3A_174 : memref<10112x64xf32, #tpu.memory_space<hbm>>) dst(%dma_wait3A_168 : memref<128x64xf32, #tpu.memory_space<vmem>>)
    %run_scoped3A_175 = arith.constant 4 : i32
    %run_scoped3A_176 = arith.constant 76 : i32
    "tpu.region"() ({
      %run_scoped3A_220 = tpu.sem_alloc : memref<!tpu.dma_semaphore, #tpu.memory_space<semaphore_mem>>
      %dma_start3A_221 = arith.constant 0 : i32
      %dma_start3A_222 = arith.constant 0 : i32
      %dma_start3A_223 = tpu.memref_slice %arg9[%run_scoped3A_175, %dma_start3A_221, %dma_start3A_222] : memref<8x128x64xf32, #tpu.memory_space<vmem>> -> memref<1x128x64xf32, #tpu.memory_space<vmem>>
      %dma_start3A_224 = tpu.memref_squeeze %dma_start3A_223 : memref<1x128x64xf32, #tpu.memory_space<vmem>> -> memref<128x64xf32, #tpu.memory_space<vmem>>
      %dma_start3A_225 = arith.constant 0 : i32
      %dma_start3A_226 = tpu.memref_slice %arg8[%run_scoped3A_176, %dma_start3A_225] : memref<80x128xi32, #tpu.memory_space<vmem>> -> memref<1x128xi32, #tpu.memory_space<vmem>>
      %dma_start3A_227 = tpu.memref_squeeze %dma_start3A_226 : memref<1x128xi32, #tpu.memory_space<vmem>> -> memref<128xi32, #tpu.memory_space<vmem>>
      %dma_start3A_228 = arith.constant 0 : i32
      %dma_start3A_229 = arith.constant 0 : i32
      %dma_start3A_230 = tpu.memref_slice %arg10[%dma_start3A_228, %dma_start3A_229] : memref<10112x64xf32, #tpu.memory_space<vmem_shared>> -> memref<10112x64xf32, #tpu.memory_space<vmem_shared>>
      tpu.enqueue_indirect_dma source(%dma_start3A_224 : memref<128x64xf32, #tpu.memory_space<vmem>>) target(%dma_start3A_230 : memref<10112x64xf32, #tpu.memory_space<vmem_shared>>) offsets(%dma_start3A_227 : memref<128xi32, #tpu.memory_space<vmem>>) semaphore(%run_scoped3A_220 : memref<!tpu.dma_semaphore, #tpu.memory_space<semaphore_mem>>) {add = true}
      %dma_wait3A_231 = arith.constant 0 : i32
      %dma_wait3A_232 = arith.constant 0 : i32
      %dma_wait3A_233 = tpu.memref_slice %arg9[%run_scoped3A_175, %dma_wait3A_231, %dma_wait3A_232] : memref<8x128x64xf32, #tpu.memory_space<vmem>> -> memref<1x128x64xf32, #tpu.memory_space<vmem>>
      %dma_wait3A_234 = tpu.memref_squeeze %dma_wait3A_233 : memref<1x128x64xf32, #tpu.memory_space<vmem>> -> memref<128x64xf32, #tpu.memory_space<vmem>>
      %dma_wait3A_235 = arith.constant 0 : i32
      %dma_wait3A_236 = tpu.memref_slice %arg8[%run_scoped3A_176, %dma_wait3A_235] : memref<80x128xi32, #tpu.memory_space<vmem>> -> memref<1x128xi32, #tpu.memory_space<vmem>>
      %dma_wait3A_237 = tpu.memref_squeeze %dma_wait3A_236 : memref<1x128xi32, #tpu.memory_space<vmem>> -> memref<128xi32, #tpu.memory_space<vmem>>
      %dma_wait3A_238 = arith.constant 0 : i32
      %dma_wait3A_239 = arith.constant 0 : i32
      %dma_wait3A_240 = tpu.memref_slice %arg10[%dma_wait3A_238, %dma_wait3A_239] : memref<10112x64xf32, #tpu.memory_space<vmem_shared>> -> memref<10112x64xf32, #tpu.memory_space<vmem_shared>>
      tpu.wait_indirect_dma semaphore(%run_scoped3A_220 : memref<!tpu.dma_semaphore, #tpu.memory_space<semaphore_mem>>) src(%dma_wait3A_234 : memref<128x64xf32, #tpu.memory_space<vmem>>) dst(%dma_wait3A_240 : memref<10112x64xf32, #tpu.memory_space<vmem_shared>>)
      tpu.yield
    }) : () -> ()
    %dma_wait3A_177 = arith.constant 77 : i32
    %dma_wait3A_178 = arith.constant 5 : i32
    %dma_wait3A_179 = arith.constant 0 : i32
    %dma_wait3A_180 = arith.constant 0 : i32
    %dma_wait3A_181 = tpu.memref_slice %arg9[%dma_wait3A_178, %dma_wait3A_179, %dma_wait3A_180] : memref<8x128x64xf32, #tpu.memory_space<vmem>> -> memref<1x128x64xf32, #tpu.memory_space<vmem>>
    %dma_wait3A_182 = tpu.memref_squeeze %dma_wait3A_181 : memref<1x128x64xf32, #tpu.memory_space<vmem>> -> memref<128x64xf32, #tpu.memory_space<vmem>>
    %dma_wait3A_183 = arith.constant 0 : i32
    %dma_wait3A_184 = tpu.memref_slice %arg7[%dma_wait3A_177, %dma_wait3A_183] : memref<80x128xi32, #tpu.memory_space<vmem>> -> memref<1x128xi32, #tpu.memory_space<vmem>>
    %dma_wait3A_185 = tpu.memref_squeeze %dma_wait3A_184 : memref<1x128xi32, #tpu.memory_space<vmem>> -> memref<128xi32, #tpu.memory_space<vmem>>
    %dma_wait3A_186 = arith.constant 0 : i32
    %dma_wait3A_187 = arith.constant 0 : i32
    %dma_wait3A_188 = tpu.memref_slice %arg4[%dma_wait3A_186, %dma_wait3A_187] : memref<10112x64xf32, #tpu.memory_space<hbm>> -> memref<10112x64xf32, #tpu.memory_space<hbm>>
    tpu.wait_indirect_dma semaphore(%arg16 : memref<!tpu.dma_semaphore, #tpu.memory_space<semaphore_mem>>) src(%dma_wait3A_188 : memref<10112x64xf32, #tpu.memory_space<hbm>>) dst(%dma_wait3A_182 : memref<128x64xf32, #tpu.memory_space<vmem>>)
    %run_scoped3A_189 = arith.constant 5 : i32
    %run_scoped3A_190 = arith.constant 77 : i32
    "tpu.region"() ({
      %run_scoped3A_220 = tpu.sem_alloc : memref<!tpu.dma_semaphore, #tpu.memory_space<semaphore_mem>>
      %dma_start3A_221 = arith.constant 0 : i32
      %dma_start3A_222 = arith.constant 0 : i32
      %dma_start3A_223 = tpu.memref_slice %arg9[%run_scoped3A_189, %dma_start3A_221, %dma_start3A_222] : memref<8x128x64xf32, #tpu.memory_space<vmem>> -> memref<1x128x64xf32, #tpu.memory_space<vmem>>
      %dma_start3A_224 = tpu.memref_squeeze %dma_start3A_223 : memref<1x128x64xf32, #tpu.memory_space<vmem>> -> memref<128x64xf32, #tpu.memory_space<vmem>>
      %dma_start3A_225 = arith.constant 0 : i32
      %dma_start3A_226 = tpu.memref_slice %arg8[%run_scoped3A_190, %dma_start3A_225] : memref<80x128xi32, #tpu.memory_space<vmem>> -> memref<1x128xi32, #tpu.memory_space<vmem>>
      %dma_start3A_227 = tpu.memref_squeeze %dma_start3A_226 : memref<1x128xi32, #tpu.memory_space<vmem>> -> memref<128xi32, #tpu.memory_space<vmem>>
      %dma_start3A_228 = arith.constant 0 : i32
      %dma_start3A_229 = arith.constant 0 : i32
      %dma_start3A_230 = tpu.memref_slice %arg10[%dma_start3A_228, %dma_start3A_229] : memref<10112x64xf32, #tpu.memory_space<vmem_shared>> -> memref<10112x64xf32, #tpu.memory_space<vmem_shared>>
      tpu.enqueue_indirect_dma source(%dma_start3A_224 : memref<128x64xf32, #tpu.memory_space<vmem>>) target(%dma_start3A_230 : memref<10112x64xf32, #tpu.memory_space<vmem_shared>>) offsets(%dma_start3A_227 : memref<128xi32, #tpu.memory_space<vmem>>) semaphore(%run_scoped3A_220 : memref<!tpu.dma_semaphore, #tpu.memory_space<semaphore_mem>>) {add = true}
      %dma_wait3A_231 = arith.constant 0 : i32
      %dma_wait3A_232 = arith.constant 0 : i32
      %dma_wait3A_233 = tpu.memref_slice %arg9[%run_scoped3A_189, %dma_wait3A_231, %dma_wait3A_232] : memref<8x128x64xf32, #tpu.memory_space<vmem>> -> memref<1x128x64xf32, #tpu.memory_space<vmem>>
      %dma_wait3A_234 = tpu.memref_squeeze %dma_wait3A_233 : memref<1x128x64xf32, #tpu.memory_space<vmem>> -> memref<128x64xf32, #tpu.memory_space<vmem>>
      %dma_wait3A_235 = arith.constant 0 : i32
      %dma_wait3A_236 = tpu.memref_slice %arg8[%run_scoped3A_190, %dma_wait3A_235] : memref<80x128xi32, #tpu.memory_space<vmem>> -> memref<1x128xi32, #tpu.memory_space<vmem>>
      %dma_wait3A_237 = tpu.memref_squeeze %dma_wait3A_236 : memref<1x128xi32, #tpu.memory_space<vmem>> -> memref<128xi32, #tpu.memory_space<vmem>>
      %dma_wait3A_238 = arith.constant 0 : i32
      %dma_wait3A_239 = arith.constant 0 : i32
      %dma_wait3A_240 = tpu.memref_slice %arg10[%dma_wait3A_238, %dma_wait3A_239] : memref<10112x64xf32, #tpu.memory_space<vmem_shared>> -> memref<10112x64xf32, #tpu.memory_space<vmem_shared>>
      tpu.wait_indirect_dma semaphore(%run_scoped3A_220 : memref<!tpu.dma_semaphore, #tpu.memory_space<semaphore_mem>>) src(%dma_wait3A_234 : memref<128x64xf32, #tpu.memory_space<vmem>>) dst(%dma_wait3A_240 : memref<10112x64xf32, #tpu.memory_space<vmem_shared>>)
      tpu.yield
    }) : () -> ()
    %dma_wait3A_191 = arith.constant 78 : i32
    %dma_wait3A_192 = arith.constant 6 : i32
    %dma_wait3A_193 = arith.constant 0 : i32
    %dma_wait3A_194 = arith.constant 0 : i32
    %dma_wait3A_195 = tpu.memref_slice %arg9[%dma_wait3A_192, %dma_wait3A_193, %dma_wait3A_194] : memref<8x128x64xf32, #tpu.memory_space<vmem>> -> memref<1x128x64xf32, #tpu.memory_space<vmem>>
    %dma_wait3A_196 = tpu.memref_squeeze %dma_wait3A_195 : memref<1x128x64xf32, #tpu.memory_space<vmem>> -> memref<128x64xf32, #tpu.memory_space<vmem>>
    %dma_wait3A_197 = arith.constant 0 : i32
    %dma_wait3A_198 = tpu.memref_slice %arg7[%dma_wait3A_191, %dma_wait3A_197] : memref<80x128xi32, #tpu.memory_space<vmem>> -> memref<1x128xi32, #tpu.memory_space<vmem>>
    %dma_wait3A_199 = tpu.memref_squeeze %dma_wait3A_198 : memref<1x128xi32, #tpu.memory_space<vmem>> -> memref<128xi32, #tpu.memory_space<vmem>>
    %dma_wait3A_200 = arith.constant 0 : i32
    %dma_wait3A_201 = arith.constant 0 : i32
    %dma_wait3A_202 = tpu.memref_slice %arg4[%dma_wait3A_200, %dma_wait3A_201] : memref<10112x64xf32, #tpu.memory_space<hbm>> -> memref<10112x64xf32, #tpu.memory_space<hbm>>
    tpu.wait_indirect_dma semaphore(%arg17 : memref<!tpu.dma_semaphore, #tpu.memory_space<semaphore_mem>>) src(%dma_wait3A_202 : memref<10112x64xf32, #tpu.memory_space<hbm>>) dst(%dma_wait3A_196 : memref<128x64xf32, #tpu.memory_space<vmem>>)
    %run_scoped3A_203 = arith.constant 6 : i32
    %run_scoped3A_204 = arith.constant 78 : i32
    "tpu.region"() ({
      %run_scoped3A_220 = tpu.sem_alloc : memref<!tpu.dma_semaphore, #tpu.memory_space<semaphore_mem>>
      %dma_start3A_221 = arith.constant 0 : i32
      %dma_start3A_222 = arith.constant 0 : i32
      %dma_start3A_223 = tpu.memref_slice %arg9[%run_scoped3A_203, %dma_start3A_221, %dma_start3A_222] : memref<8x128x64xf32, #tpu.memory_space<vmem>> -> memref<1x128x64xf32, #tpu.memory_space<vmem>>
      %dma_start3A_224 = tpu.memref_squeeze %dma_start3A_223 : memref<1x128x64xf32, #tpu.memory_space<vmem>> -> memref<128x64xf32, #tpu.memory_space<vmem>>
      %dma_start3A_225 = arith.constant 0 : i32
      %dma_start3A_226 = tpu.memref_slice %arg8[%run_scoped3A_204, %dma_start3A_225] : memref<80x128xi32, #tpu.memory_space<vmem>> -> memref<1x128xi32, #tpu.memory_space<vmem>>
      %dma_start3A_227 = tpu.memref_squeeze %dma_start3A_226 : memref<1x128xi32, #tpu.memory_space<vmem>> -> memref<128xi32, #tpu.memory_space<vmem>>
      %dma_start3A_228 = arith.constant 0 : i32
      %dma_start3A_229 = arith.constant 0 : i32
      %dma_start3A_230 = tpu.memref_slice %arg10[%dma_start3A_228, %dma_start3A_229] : memref<10112x64xf32, #tpu.memory_space<vmem_shared>> -> memref<10112x64xf32, #tpu.memory_space<vmem_shared>>
      tpu.enqueue_indirect_dma source(%dma_start3A_224 : memref<128x64xf32, #tpu.memory_space<vmem>>) target(%dma_start3A_230 : memref<10112x64xf32, #tpu.memory_space<vmem_shared>>) offsets(%dma_start3A_227 : memref<128xi32, #tpu.memory_space<vmem>>) semaphore(%run_scoped3A_220 : memref<!tpu.dma_semaphore, #tpu.memory_space<semaphore_mem>>) {add = true}
      %dma_wait3A_231 = arith.constant 0 : i32
      %dma_wait3A_232 = arith.constant 0 : i32
      %dma_wait3A_233 = tpu.memref_slice %arg9[%run_scoped3A_203, %dma_wait3A_231, %dma_wait3A_232] : memref<8x128x64xf32, #tpu.memory_space<vmem>> -> memref<1x128x64xf32, #tpu.memory_space<vmem>>
      %dma_wait3A_234 = tpu.memref_squeeze %dma_wait3A_233 : memref<1x128x64xf32, #tpu.memory_space<vmem>> -> memref<128x64xf32, #tpu.memory_space<vmem>>
      %dma_wait3A_235 = arith.constant 0 : i32
      %dma_wait3A_236 = tpu.memref_slice %arg8[%run_scoped3A_204, %dma_wait3A_235] : memref<80x128xi32, #tpu.memory_space<vmem>> -> memref<1x128xi32, #tpu.memory_space<vmem>>
      %dma_wait3A_237 = tpu.memref_squeeze %dma_wait3A_236 : memref<1x128xi32, #tpu.memory_space<vmem>> -> memref<128xi32, #tpu.memory_space<vmem>>
      %dma_wait3A_238 = arith.constant 0 : i32
      %dma_wait3A_239 = arith.constant 0 : i32
      %dma_wait3A_240 = tpu.memref_slice %arg10[%dma_wait3A_238, %dma_wait3A_239] : memref<10112x64xf32, #tpu.memory_space<vmem_shared>> -> memref<10112x64xf32, #tpu.memory_space<vmem_shared>>
      tpu.wait_indirect_dma semaphore(%run_scoped3A_220 : memref<!tpu.dma_semaphore, #tpu.memory_space<semaphore_mem>>) src(%dma_wait3A_234 : memref<128x64xf32, #tpu.memory_space<vmem>>) dst(%dma_wait3A_240 : memref<10112x64xf32, #tpu.memory_space<vmem_shared>>)
      tpu.yield
    }) : () -> ()
    %dma_wait3A_205 = arith.constant 79 : i32
    %dma_wait3A_206 = arith.constant 7 : i32
    %dma_wait3A_207 = arith.constant 0 : i32
    %dma_wait3A_208 = arith.constant 0 : i32
    %dma_wait3A_209 = tpu.memref_slice %arg9[%dma_wait3A_206, %dma_wait3A_207, %dma_wait3A_208] : memref<8x128x64xf32, #tpu.memory_space<vmem>> -> memref<1x128x64xf32, #tpu.memory_space<vmem>>
    %dma_wait3A_210 = tpu.memref_squeeze %dma_wait3A_209 : memref<1x128x64xf32, #tpu.memory_space<vmem>> -> memref<128x64xf32, #tpu.memory_space<vmem>>
    %dma_wait3A_211 = arith.constant 0 : i32
    %dma_wait3A_212 = tpu.memref_slice %arg7[%dma_wait3A_205, %dma_wait3A_211] : memref<80x128xi32, #tpu.memory_space<vmem>> -> memref<1x128xi32, #tpu.memory_space<vmem>>
    %dma_wait3A_213 = tpu.memref_squeeze %dma_wait3A_212 : memref<1x128xi32, #tpu.memory_space<vmem>> -> memref<128xi32, #tpu.memory_space<vmem>>
    %dma_wait3A_214 = arith.constant 0 : i32
    %dma_wait3A_215 = arith.constant 0 : i32
    %dma_wait3A_216 = tpu.memref_slice %arg4[%dma_wait3A_214, %dma_wait3A_215] : memref<10112x64xf32, #tpu.memory_space<hbm>> -> memref<10112x64xf32, #tpu.memory_space<hbm>>
    tpu.wait_indirect_dma semaphore(%arg18 : memref<!tpu.dma_semaphore, #tpu.memory_space<semaphore_mem>>) src(%dma_wait3A_216 : memref<10112x64xf32, #tpu.memory_space<hbm>>) dst(%dma_wait3A_210 : memref<128x64xf32, #tpu.memory_space<vmem>>)
    %run_scoped3A_217 = arith.constant 7 : i32
    %run_scoped3A_218 = arith.constant 79 : i32
    "tpu.region"() ({
      %run_scoped3A_220 = tpu.sem_alloc : memref<!tpu.dma_semaphore, #tpu.memory_space<semaphore_mem>>
      %dma_start3A_221 = arith.constant 0 : i32
      %dma_start3A_222 = arith.constant 0 : i32
      %dma_start3A_223 = tpu.memref_slice %arg9[%run_scoped3A_217, %dma_start3A_221, %dma_start3A_222] : memref<8x128x64xf32, #tpu.memory_space<vmem>> -> memref<1x128x64xf32, #tpu.memory_space<vmem>>
      %dma_start3A_224 = tpu.memref_squeeze %dma_start3A_223 : memref<1x128x64xf32, #tpu.memory_space<vmem>> -> memref<128x64xf32, #tpu.memory_space<vmem>>
      %dma_start3A_225 = arith.constant 0 : i32
      %dma_start3A_226 = tpu.memref_slice %arg8[%run_scoped3A_218, %dma_start3A_225] : memref<80x128xi32, #tpu.memory_space<vmem>> -> memref<1x128xi32, #tpu.memory_space<vmem>>
      %dma_start3A_227 = tpu.memref_squeeze %dma_start3A_226 : memref<1x128xi32, #tpu.memory_space<vmem>> -> memref<128xi32, #tpu.memory_space<vmem>>
      %dma_start3A_228 = arith.constant 0 : i32
      %dma_start3A_229 = arith.constant 0 : i32
      %dma_start3A_230 = tpu.memref_slice %arg10[%dma_start3A_228, %dma_start3A_229] : memref<10112x64xf32, #tpu.memory_space<vmem_shared>> -> memref<10112x64xf32, #tpu.memory_space<vmem_shared>>
      tpu.enqueue_indirect_dma source(%dma_start3A_224 : memref<128x64xf32, #tpu.memory_space<vmem>>) target(%dma_start3A_230 : memref<10112x64xf32, #tpu.memory_space<vmem_shared>>) offsets(%dma_start3A_227 : memref<128xi32, #tpu.memory_space<vmem>>) semaphore(%run_scoped3A_220 : memref<!tpu.dma_semaphore, #tpu.memory_space<semaphore_mem>>) {add = true}
      %dma_wait3A_231 = arith.constant 0 : i32
      %dma_wait3A_232 = arith.constant 0 : i32
      %dma_wait3A_233 = tpu.memref_slice %arg9[%run_scoped3A_217, %dma_wait3A_231, %dma_wait3A_232] : memref<8x128x64xf32, #tpu.memory_space<vmem>> -> memref<1x128x64xf32, #tpu.memory_space<vmem>>
      %dma_wait3A_234 = tpu.memref_squeeze %dma_wait3A_233 : memref<1x128x64xf32, #tpu.memory_space<vmem>> -> memref<128x64xf32, #tpu.memory_space<vmem>>
      %dma_wait3A_235 = arith.constant 0 : i32
      %dma_wait3A_236 = tpu.memref_slice %arg8[%run_scoped3A_218, %dma_wait3A_235] : memref<80x128xi32, #tpu.memory_space<vmem>> -> memref<1x128xi32, #tpu.memory_space<vmem>>
      %dma_wait3A_237 = tpu.memref_squeeze %dma_wait3A_236 : memref<1x128xi32, #tpu.memory_space<vmem>> -> memref<128xi32, #tpu.memory_space<vmem>>
      %dma_wait3A_238 = arith.constant 0 : i32
      %dma_wait3A_239 = arith.constant 0 : i32
      %dma_wait3A_240 = tpu.memref_slice %arg10[%dma_wait3A_238, %dma_wait3A_239] : memref<10112x64xf32, #tpu.memory_space<vmem_shared>> -> memref<10112x64xf32, #tpu.memory_space<vmem_shared>>
      tpu.wait_indirect_dma semaphore(%run_scoped3A_220 : memref<!tpu.dma_semaphore, #tpu.memory_space<semaphore_mem>>) src(%dma_wait3A_234 : memref<128x64xf32, #tpu.memory_space<vmem>>) dst(%dma_wait3A_240 : memref<10112x64xf32, #tpu.memory_space<vmem_shared>>)
      tpu.yield
    }) : () -> ()
    %barrier3A_219 = arith.constant 0 : index
    tpu.barrier barrier_id(%barrier3A_219)
    "tpu.region"() ({
      %run_scoped3A_220 = tpu.sem_alloc : memref<!tpu.dma_semaphore, #tpu.memory_space<semaphore_mem>>
      %dma_start3A_221 = arith.constant 0 : i32
      %dma_start3A_222 = arith.constant 0 : i32
      %dma_start3A_223 = tpu.memref_slice %arg6[%arg0, %dma_start3A_221, %dma_start3A_222] : memref<2x10112x64xf32, #tpu.memory_space<hbm>> -> memref<1x10112x64xf32, #tpu.memory_space<hbm>>
      %dma_start3A_224 = tpu.memref_squeeze %dma_start3A_223 : memref<1x10112x64xf32, #tpu.memory_space<hbm>> -> memref<10112x64xf32, #tpu.memory_space<hbm>>
      %dma_start3A_225 = arith.constant 0 : i32
      %dma_start3A_226 = tpu.memref_slice %dma_start3A_224[%mul3A_2, %dma_start3A_225] : memref<10112x64xf32, #tpu.memory_space<hbm>> -> memref<632x64xf32, #tpu.memory_space<hbm>>
      %dma_start3A_227 = arith.constant 0 : i32
      %dma_start3A_228 = tpu.memref_slice %arg10[%mul3A_2, %dma_start3A_227] : memref<10112x64xf32, #tpu.memory_space<vmem_shared>> -> memref<632x64xf32, #tpu.memory_space<vmem_shared>>
      tpu.enqueue_dma source(%dma_start3A_228 : memref<632x64xf32, #tpu.memory_space<vmem_shared>>) target(%dma_start3A_226 : memref<632x64xf32, #tpu.memory_space<hbm>>) target_semaphore(%run_scoped3A_220 : memref<!tpu.dma_semaphore, #tpu.memory_space<semaphore_mem>>)
      %dma_wait3A_229 = arith.constant 0 : i32
      %dma_wait3A_230 = arith.constant 0 : i32
      %dma_wait3A_231 = tpu.memref_slice %arg6[%arg0, %dma_wait3A_229, %dma_wait3A_230] : memref<2x10112x64xf32, #tpu.memory_space<hbm>> -> memref<1x10112x64xf32, #tpu.memory_space<hbm>>
      %dma_wait3A_232 = tpu.memref_squeeze %dma_wait3A_231 : memref<1x10112x64xf32, #tpu.memory_space<hbm>> -> memref<10112x64xf32, #tpu.memory_space<hbm>>
      %dma_wait3A_233 = arith.constant 0 : i32
      %dma_wait3A_234 = tpu.memref_slice %dma_wait3A_232[%mul3A_2, %dma_wait3A_233] : memref<10112x64xf32, #tpu.memory_space<hbm>> -> memref<632x64xf32, #tpu.memory_space<hbm>>
      %dma_wait3A_235 = arith.constant 0 : i32
      %dma_wait3A_236 = tpu.memref_slice %arg10[%mul3A_2, %dma_wait3A_235] : memref<10112x64xf32, #tpu.memory_space<vmem_shared>> -> memref<632x64xf32, #tpu.memory_space<vmem_shared>>
      tpu.wait_dma2 semaphore(%run_scoped3A_220 : memref<!tpu.dma_semaphore, #tpu.memory_space<semaphore_mem>>) src(%dma_wait3A_236 : memref<632x64xf32, #tpu.memory_space<vmem_shared>>) dst(%dma_wait3A_234 : memref<632x64xf32, #tpu.memory_space<hbm>>)
      tpu.yield
    }) : () -> ()
    return
  }
}

module attributes {stable_mosaic.version = 14 : i64} {
  func.func @_mm_body(%arg0: i32, %arg1: memref<1000x128xf32, #tpu.memory_space<vmem>>, %arg2: memref<128x64xf32, #tpu.memory_space<vmem>>, %arg3: memref<1000x64xf32, #tpu.memory_space<vmem>>) attributes {dimension_semantics = [#tpu.dimension_semantics<arbitrary>], iteration_bounds = array<i64: 10>, scalar_prefetch = 0 : i64, scratch_operands = 0 : i64, tpu.core_type = #tpu.core_type<tc>, window_params = [{transform_indices = @transform_0, window_bounds = array<i64: 1000, 128>}, {pipeline_mode = #tpu.pipeline_mode<synchronous>, transform_indices = @transform_1, window_bounds = array<i64: 128, 64>}, {transform_indices = @transform_2, window_bounds = array<i64: 1000, 64>}]} {
    %get3A = arith.constant 0 : index
    %get3A_0 = arith.constant 0 : index
    %get3A_1 = vector.load %arg1[%get3A, %get3A_0] : memref<1000x128xf32, #tpu.memory_space<vmem>>, vector<1000x128xf32>
    %get3A_2 = arith.constant 0 : index
    %get3A_3 = arith.constant 0 : index
    %get3A_4 = vector.load %arg2[%get3A_2, %get3A_3] : memref<128x64xf32, #tpu.memory_space<vmem>>, vector<128x64xf32>
    %dot_general3A = arith.constant dense<0.000000e+00> : vector<1000x64xf32>
    %dot_general3A_5 = tpu.matmul %get3A_1, %get3A_4, %dot_general3A {dimension_numbers = #tpu.dot_dimension_numbers<[1], [0], [0], [1], [0, 0, 1, 1], [], []>, transpose_lhs_hint = false} : vector<1000x128xf32>, vector<128x64xf32>, vector<1000x64xf32> -> vector<1000x64xf32>
    %swap3A = arith.constant 0 : index
    %swap3A_6 = arith.constant 0 : index
    %swap3A_7 = vector.load %arg3[%swap3A, %swap3A_6] : memref<1000x64xf32, #tpu.memory_space<vmem>>, vector<1000x64xf32>
    tpu.vector_store %arg3[%swap3A, %swap3A_6], %dot_general3A_5 {strides = array<i32>} : memref<1000x64xf32, #tpu.memory_space<vmem>>, vector<1000x64xf32>,
    return
  }
  func.func @transform_0(%arg0: i32) -> (i32, i32) {
    %c0_i32 = arith.constant 0 : i32
    %c0_i32_0 = arith.constant 0 : i32
    return %arg0, %c0_i32 : i32, i32
  }
  func.func @transform_1(%arg0: i32) -> (i32, i32) {
    %c0_i32 = arith.constant 0 : i32
    %c0_i32_0 = arith.constant 0 : i32
    %c0_i32_1 = arith.constant 0 : i32
    return %c0_i32, %c0_i32_0 : i32, i32
  }
  func.func @transform_2(%arg0: i32) -> (i32, i32) {
    %c0_i32 = arith.constant 0 : i32
    %c0_i32_0 = arith.constant 0 : i32
    return %arg0, %c0_i32 : i32, i32
  }
}

module attributes {stable_mosaic.version = 14 : i64} {
  func.func @_scale_body(%arg0: memref<10112x64xf32, #tpu.memory_space<vmem>>, %arg1: memref<2x10112x8xf32, #tpu.memory_space<any>>, %arg2: memref<10112x64xf32, #tpu.memory_space<any>>, %arg3: memref<2x10112x8xf32, #tpu.memory_space<vmem>>, %arg4: memref<10112x64xf32, #tpu.memory_space<vmem>>, %arg5: memref<!tpu.dma_semaphore, #tpu.memory_space<semaphore_mem>>, %arg6: memref<!tpu.dma_semaphore, #tpu.memory_space<semaphore_mem>>) attributes {dimension_semantics = [], scalar_prefetch = 0 : i64, scratch_operands = 4 : i64, tpu.core_type = #tpu.core_type<tc>} {
    tpu.enqueue_dma source(%arg1 : memref<2x10112x8xf32, #tpu.memory_space<any>>) target(%arg3 : memref<2x10112x8xf32, #tpu.memory_space<vmem>>) target_semaphore(%arg5 : memref<!tpu.dma_semaphore, #tpu.memory_space<semaphore_mem>>)
    tpu.wait_dma2 semaphore(%arg5 : memref<!tpu.dma_semaphore, #tpu.memory_space<semaphore_mem>>) src(%arg1 : memref<2x10112x8xf32, #tpu.memory_space<any>>) dst(%arg3 : memref<2x10112x8xf32, #tpu.memory_space<vmem>>)
    %get3A = arith.constant 0 : index
    %get3A_0 = arith.constant 0 : index
    %get3A_1 = vector.load %arg0[%get3A, %get3A_0] : memref<10112x64xf32, #tpu.memory_space<vmem>>, vector<10112x64xf32>
    %get3A_2 = arith.constant 0 : index
    %get3A_3 = arith.constant 0 : index
    %get3A_4 = arith.constant 0 : index
    %get3A_5 = vector.load %arg3[%get3A_2, %get3A_3, %get3A_4] : memref<2x10112x8xf32, #tpu.memory_space<vmem>>, vector<2x10112x8xf32>
    %slice3A = vector.extract_strided_slice %get3A_5 {offsets = [0, 0, 0], sizes = [1, 10112, 1], strides = [1, 1, 1]} : vector<2x10112x8xf32> to vector<1x10112x1xf32>
    %squeeze3A = vector.shape_cast %slice3A : vector<1x10112x1xf32> to vector<10112xf32>
    %slice3A_6 = vector.extract_strided_slice %get3A_5 {offsets = [1, 0, 0], sizes = [1, 10112, 1], strides = [1, 1, 1]} : vector<2x10112x8xf32> to vector<1x10112x1xf32>
    %squeeze3A_7 = vector.shape_cast %slice3A_6 : vector<1x10112x1xf32> to vector<10112xf32>
    %add3A = arith.addf %squeeze3A, %squeeze3A_7 : vector<10112xf32>
    %add3A_8 = arith.constant 1.000000e+00 : f32
    %add3A_9 = vector.broadcast %add3A_8 : f32 to vector<10112xf32>
    %add3A_10 = arith.addf %add3A, %add3A_9 : vector<10112xf32>
    %rsqrt3A = math.rsqrt %add3A_10 : vector<10112xf32>
    %broadcast_in_dim3A = vector.shape_cast %rsqrt3A : vector<10112xf32> to vector<10112x1xf32>
    %mul3A = vector.broadcast %broadcast_in_dim3A : vector<10112x1xf32> to vector<10112x64xf32>
    %mul3A_11 = arith.mulf %get3A_1, %mul3A : vector<10112x64xf32>
    %swap3A = arith.constant 0 : index
    %swap3A_12 = arith.constant 0 : index
    %swap3A_13 = vector.load %arg4[%swap3A, %swap3A_12] : memref<10112x64xf32, #tpu.memory_space<vmem>>, vector<10112x64xf32>
    tpu.vector_store %arg4[%swap3A, %swap3A_12], %mul3A_11 {strides = array<i32>} : memref<10112x64xf32, #tpu.memory_space<vmem>>, vector<10112x64xf32>,
    tpu.enqueue_dma source(%arg4 : memref<10112x64xf32, #tpu.memory_space<vmem>>) target(%arg2 : memref<10112x64xf32, #tpu.memory_space<any>>) target_semaphore(%arg6 : memref<!tpu.dma_semaphore, #tpu.memory_space<semaphore_mem>>)
    tpu.wait_dma2 semaphore(%arg6 : memref<!tpu.dma_semaphore, #tpu.memory_space<semaphore_mem>>) src(%arg4 : memref<10112x64xf32, #tpu.memory_space<vmem>>) dst(%arg2 : memref<10112x64xf32, #tpu.memory_space<any>>)
    return
  }
}

module attributes {stable_mosaic.version = 14 : i64} {
  func.func @_fin_body(%arg0: memref<2x10112x64xf32, #tpu.memory_space<any>>, %arg1: memref<2x10112x8xf32, #tpu.memory_space<any>>, %arg2: memref<1x64xf32, #tpu.memory_space<vmem>>, %arg3: memref<1x64xf32, #tpu.memory_space<vmem>>, %arg4: memref<1x64xf32, #tpu.memory_space<vmem>>, %arg5: memref<10000x64xf32, #tpu.memory_space<vmem>>, %arg6: memref<2x10112x64xf32, #tpu.memory_space<vmem>>, %arg7: memref<2x10112x8xf32, #tpu.memory_space<vmem>>, %arg8: memref<!tpu.dma_semaphore, #tpu.memory_space<semaphore_mem>>, %arg9: memref<!tpu.dma_semaphore, #tpu.memory_space<semaphore_mem>>) attributes {dimension_semantics = [], scalar_prefetch = 0 : i64, scratch_operands = 4 : i64, tpu.core_type = #tpu.core_type<tc>} {
    tpu.enqueue_dma source(%arg0 : memref<2x10112x64xf32, #tpu.memory_space<any>>) target(%arg6 : memref<2x10112x64xf32, #tpu.memory_space<vmem>>) target_semaphore(%arg8 : memref<!tpu.dma_semaphore, #tpu.memory_space<semaphore_mem>>)
    tpu.enqueue_dma source(%arg1 : memref<2x10112x8xf32, #tpu.memory_space<any>>) target(%arg7 : memref<2x10112x8xf32, #tpu.memory_space<vmem>>) target_semaphore(%arg9 : memref<!tpu.dma_semaphore, #tpu.memory_space<semaphore_mem>>)
    tpu.wait_dma2 semaphore(%arg8 : memref<!tpu.dma_semaphore, #tpu.memory_space<semaphore_mem>>) src(%arg0 : memref<2x10112x64xf32, #tpu.memory_space<any>>) dst(%arg6 : memref<2x10112x64xf32, #tpu.memory_space<vmem>>)
    tpu.wait_dma2 semaphore(%arg9 : memref<!tpu.dma_semaphore, #tpu.memory_space<semaphore_mem>>) src(%arg1 : memref<2x10112x8xf32, #tpu.memory_space<any>>) dst(%arg7 : memref<2x10112x8xf32, #tpu.memory_space<vmem>>)
    %get3A = arith.constant 0 : index
    %get3A_0 = arith.constant 0 : index
    %get3A_1 = arith.constant 0 : index
    %get3A_2 = vector.load %arg7[%get3A, %get3A_0, %get3A_1] : memref<2x10112x8xf32, #tpu.memory_space<vmem>>, vector<2x10112x8xf32>
    %slice3A = vector.extract_strided_slice %get3A_2 {offsets = [0, 0, 0], sizes = [1, 10112, 1], strides = [1, 1, 1]} : vector<2x10112x8xf32> to vector<1x10112x1xf32>
    %squeeze3A = vector.shape_cast %slice3A : vector<1x10112x1xf32> to vector<10112xf32>
    %slice3A_3 = vector.extract_strided_slice %get3A_2 {offsets = [1, 0, 0], sizes = [1, 10112, 1], strides = [1, 1, 1]} : vector<2x10112x8xf32> to vector<1x10112x1xf32>
    %squeeze3A_4 = vector.shape_cast %slice3A_3 : vector<1x10112x1xf32> to vector<10112xf32>
    %add3A = arith.addf %squeeze3A, %squeeze3A_4 : vector<10112xf32>
    %add3A_5 = arith.constant 1.000000e+00 : f32
    %add3A_6 = vector.broadcast %add3A_5 : f32 to vector<10112xf32>
    %add3A_7 = arith.addf %add3A, %add3A_6 : vector<10112xf32>
    %rsqrt3A = math.rsqrt %add3A_7 : vector<10112xf32>
    %get3A_8 = arith.constant 0 : index
    %get3A_9 = arith.constant 0 : index
    %get3A_10 = arith.constant 0 : index
    %get3A_11 = vector.load %arg6[%get3A_8, %get3A_9, %get3A_10] : memref<2x10112x64xf32, #tpu.memory_space<vmem>>, vector<2x10112x64xf32>
    %slice3A_12 = vector.extract_strided_slice %get3A_11 {offsets = [0, 0, 0], sizes = [1, 10112, 64], strides = [1, 1, 1]} : vector<2x10112x64xf32> to vector<1x10112x64xf32>
    %squeeze3A_13 = vector.shape_cast %slice3A_12 : vector<1x10112x64xf32> to vector<10112x64xf32>
    %slice3A_14 = vector.extract_strided_slice %get3A_11 {offsets = [1, 0, 0], sizes = [1, 10112, 64], strides = [1, 1, 1]} : vector<2x10112x64xf32> to vector<1x10112x64xf32>
    %squeeze3A_15 = vector.shape_cast %slice3A_14 : vector<1x10112x64xf32> to vector<10112x64xf32>
    %add3A_16 = arith.addf %squeeze3A_13, %squeeze3A_15 : vector<10112x64xf32>
    %broadcast_in_dim3A = vector.shape_cast %rsqrt3A : vector<10112xf32> to vector<10112x1xf32>
    %mul3A = vector.broadcast %broadcast_in_dim3A : vector<10112x1xf32> to vector<10112x64xf32>
    %mul3A_17 = arith.mulf %add3A_16, %mul3A : vector<10112x64xf32>
    %get3A_18 = arith.constant 0 : index
    %get3A_19 = arith.constant 0 : index
    %get3A_20 = vector.load %arg2[%get3A_18, %get3A_19] : memref<1x64xf32, #tpu.memory_space<vmem>>, vector<1x64xf32>
    %get3A_21 = vector.shape_cast %get3A_20 : vector<1x64xf32> to vector<64xf32>
    %broadcast_in_dim3A_22 = vector.shape_cast %get3A_21 : vector<64xf32> to vector<1x64xf32>
    %add3A_23 = vector.broadcast %broadcast_in_dim3A_22 : vector<1x64xf32> to vector<10112x64xf32>
    %add3A_24 = arith.addf %mul3A_17, %add3A_23 : vector<10112x64xf32>
    %reduce_sum3A = arith.constant dense<0.000000e+00> : vector<10112xf32>
    %reduce_sum3A_25 = vector.multi_reduction <add>, %add3A_24, %reduce_sum3A [1] : vector<10112x64xf32> to vector<10112xf32>
    %broadcast_in_dim3A_26 = vector.shape_cast %reduce_sum3A_25 : vector<10112xf32> to vector<10112x1xf32>
    %div3A = arith.constant 6.400000e+01 : f32
    %div3A_27 = vector.broadcast %div3A : f32 to vector<10112x1xf32>
    %div3A_28 = arith.divf %broadcast_in_dim3A_26, %div3A_27 : vector<10112x1xf32>
    %sub3A = vector.broadcast %div3A_28 : vector<10112x1xf32> to vector<10112x64xf32>
    %sub3A_29 = arith.subf %add3A_24, %sub3A : vector<10112x64xf32>
    %integer_pow3A = arith.mulf %sub3A_29, %sub3A_29 : vector<10112x64xf32>
    %reduce_sum3A_30 = arith.constant dense<0.000000e+00> : vector<10112xf32>
    %reduce_sum3A_31 = vector.multi_reduction <add>, %integer_pow3A, %reduce_sum3A_30 [1] : vector<10112x64xf32> to vector<10112xf32>
    %broadcast_in_dim3A_32 = vector.shape_cast %reduce_sum3A_31 : vector<10112xf32> to vector<10112x1xf32>
    %div3A_33 = arith.constant 6.400000e+01 : f32
    %div3A_34 = vector.broadcast %div3A_33 : f32 to vector<10112x1xf32>
    %div3A_35 = arith.divf %broadcast_in_dim3A_32, %div3A_34 : vector<10112x1xf32>
    %sub3A_36 = vector.broadcast %div3A_28 : vector<10112x1xf32> to vector<10112x64xf32>
    %sub3A_37 = arith.subf %add3A_24, %sub3A_36 : vector<10112x64xf32>
    %add3A_38 = arith.constant 9.99999974E-6 : f32
    %add3A_39 = vector.broadcast %add3A_38 : f32 to vector<10112x1xf32>
    %add3A_40 = arith.addf %div3A_35, %add3A_39 : vector<10112x1xf32>
    %rsqrt3A_41 = math.rsqrt %add3A_40 : vector<10112x1xf32>
    %mul3A_42 = vector.broadcast %rsqrt3A_41 : vector<10112x1xf32> to vector<10112x64xf32>
    %mul3A_43 = arith.mulf %sub3A_37, %mul3A_42 : vector<10112x64xf32>
    %get3A_44 = arith.constant 0 : index
    %get3A_45 = arith.constant 0 : index
    %get3A_46 = vector.load %arg3[%get3A_44, %get3A_45] : memref<1x64xf32, #tpu.memory_space<vmem>>, vector<1x64xf32>
    %get3A_47 = vector.shape_cast %get3A_46 : vector<1x64xf32> to vector<64xf32>
    %broadcast_in_dim3A_48 = vector.shape_cast %get3A_47 : vector<64xf32> to vector<1x64xf32>
    %mul3A_49 = vector.broadcast %broadcast_in_dim3A_48 : vector<1x64xf32> to vector<10112x64xf32>
    %mul3A_50 = arith.mulf %mul3A_43, %mul3A_49 : vector<10112x64xf32>
    %get3A_51 = arith.constant 0 : index
    %get3A_52 = arith.constant 0 : index
    %get3A_53 = vector.load %arg4[%get3A_51, %get3A_52] : memref<1x64xf32, #tpu.memory_space<vmem>>, vector<1x64xf32>
    %get3A_54 = vector.shape_cast %get3A_53 : vector<1x64xf32> to vector<64xf32>
    %broadcast_in_dim3A_55 = vector.shape_cast %get3A_54 : vector<64xf32> to vector<1x64xf32>
    %add3A_56 = vector.broadcast %broadcast_in_dim3A_55 : vector<1x64xf32> to vector<10112x64xf32>
    %add3A_57 = arith.addf %mul3A_50, %add3A_56 : vector<10112x64xf32>
    %slice3A_58 = vector.extract_strided_slice %add3A_57 {offsets = [0, 0], sizes = [10000, 64], strides = [1, 1]} : vector<10112x64xf32> to vector<10000x64xf32>
    %max3A = arith.constant 0.000000e+00 : f32
    %max3A_59 = vector.broadcast %max3A : f32 to vector<10000x64xf32>
    %max3A_60 = arith.maximumf %slice3A_58, %max3A_59 : vector<10000x64xf32>
    %swap3A = arith.constant 0 : index
    %swap3A_61 = arith.constant 0 : index
    %swap3A_62 = vector.load %arg5[%swap3A, %swap3A_61] : memref<10000x64xf32, #tpu.memory_space<vmem>>, vector<10000x64xf32>
    tpu.vector_store %arg5[%swap3A, %swap3A_61], %max3A_60 {strides = array<i32>} : memref<10000x64xf32, #tpu.memory_space<vmem>>, vector<10000x64xf32>,
    return
  }
}

</mosaic_0001>

<sc_bundles>
// kernel: kernel.10.cloned.1.call-start
scs
__scs_entry_jumppad:
0x0: {  	(pc) =	sbr.rel $0x88, $3  }
0x1: {  	(tag) =	ssettag $0x0;
	lr =	simm.s32 $0x1  }
0x2: {  	[smem:$0x3F9B] =	sst lr;
	_ =	strace $0xD0000000  }
0x3: {  	_ = 	snop  }
0x4: {  	_ = 	snop  }
0x5: {  	_ = 	snop  }
0x6: {  	_ = 	snop  }
0x7: {  	_ = 	snop  }
__scs_overlays_trampoline_lowered:
0x8: {  	[smem:$0x3FAA] =	sst s0  }
0x9: {  	[smem:$0x3FAB] =	sst s1  }
0xa: {  	[smem:$0x3FAC] =	sst s2  }
0xb: {  	[smem:$0x3FAD] =	sst s3  }
0xc: {  	[smem:$0x3FAE] =	sst s4  }
0xd: {  	[smem:$0x3FAF] =	sst s5  }
0xe: {  	[smem:$0x3FB0] =	sst s6  }
0xf: {  	[smem:$0x3FB1] =	sst s7  }
0x10: {  	[smem:$0x3FB2] =	sst s8  }
0x11: {  	[smem:$0x3FB3] =	sst s9;
	s0 =	simm.s32 @!p0 $0x0  }
0x12: {  	s1 =	sld [smem:$0x3F99];
	s0 =	simm.s32 @p0 $0x1  }
0x13: {  	[smem:$0x3FB4] =	sst s0;
	s0 =	simm.s32 @!p1 $0x0  }
0x14: {  	s2 =	sld [smem:$0x3F98];
	s0 =	simm.s32 @p1 $0x1  }
0x15: {  	[smem:$0x3FB5] =	sst s0;
	s0 =	simm.s32 @!p2 $0x0  }
0x16: {  	s3 =	sld [smem:$0x3FDB];
	s0 =	simm.s32 @p2 $0x1  }
0x17: {  	s4 =	simm.s32 $0x1BF5;
	[smem:$0x3FB7] =	sst s0  }
0x18: {  	s0 =	sld [smem:$0x3F9A];
	_ =	swait.ge [sflag:s4], $0x0  }
0x19: {  	s7 =	sld [smem:$0x3F9B]  }
0x1a: {  	s8 =	sadd.s32 $0xFFFFE003, lr  }
0x1b: {  	s9 =	sadd.s32 $0xFFFFFEF7, lr;
	s5 =	simm.s32 $0xFFFFFFFF;
	p2 =	slt.u32 s8, $0xFFFFF086  }
0x1c: {  	p1 =	slt.u32 s9, $0xF7A;
	s5 =	simm.s32 @!p2 $0x0  }
0x1d: {  	s5 =	simm.s32 @p1 $0x1;
	p0 =	seq.s32 s7, s2  }
0x1e: {  	s7 =	smul.u32 @!p0 $0xF7A, s2;
	p2 =	seq.s32 @!p0 s5, $0x0  }
0x1f: {  	s9 =	smul.u32 $0xF7A, s1;
	s8 =	simm.s32 @!p0 $0x1BF5;
	p2 =	por !p2, p0  }
0x20: {  	[sflag:s8] =	ssyncset.s32 @!p0 $0xFFFFF086;
	s6 =	sadd.s32 @!p0 s3, s7;
	s7 =	simm.s32 @!p0 $0x108  }
0x21: {  	s3 =	sadd.s32 s3, s9;
	s6 =	sadd.s32 @!p0 $0x88, s6;
	s7 =	simm.s32 @p2 $0x1082  }
0x22: {  	[simem:s7], [sflag:s8] =	dma.local @!p0 [hbm:s6], $0xF7A  }
0x23: {  	s9 =	sor.u32 $0xD0000000, s2;
	s6 =	simm.s32 $0x108;
	_ =	swait.ge @!p0 [sflag:s8], $0x0  }
0x24: {  	s3 =	sadd.s32 $0x88, s3;
	s6 =	simm.s32 @!p1 $0x1082;
	[sflag:s4] =	ssyncset.s32 $0xFFFFF086  }
0x25: {  	[simem:s6], [sflag:s4] =	dma.local [hbm:s3], $0xF7A  }
0x26: {  	[smem:$0x3F9B] =	sst s1;
	(tag) =	ssettag s2;
	_ =	strace s9  }
0x27: {  	s1 =	sld [smem:$0x3FAB]  }
0x28: {  	s2 =	sld [smem:$0x3FAC]  }
0x29: {  	s4 =	sld [smem:$0x3FAE]  }
0x2a: {  	p0 =	seq.s32 s5, $0x0;
	s5 =	sld [smem:$0x3FAF]  }
0x2b: {  	s6 =	sld [smem:$0x3FB0]  }
0x2c: {  	s7 =	sld [smem:$0x3FB1]  }
0x2d: {  	s3 =	simm.s32 $0x108;
	s8 =	sld [smem:$0x3FB2]  }
0x2e: {  	s3 =	simm.s32 @!p0 $0x1082;
	s9 =	sld [smem:$0x3FB3]  }
0x2f: {  	lr =	sadd.s32 s0, s3;
	s0 =	sld [smem:$0x3FAA]  }
0x30: {  	s3 =	sld [smem:$0x3FAD]  }
0x31: {  	[smem:$0x3FB6] =	sst s10  }
0x32: {  	s10 =	sld [smem:$0x3FB4];
	_ =	sdelay $0x3  }
0x33: {  	p0 =	seq.s32 s10, $0x1;
	s10 =	sld [smem:$0x3FB6];
	_ =	sdelay $0x3  }
0x34: {  	[smem:$0x3FB6] =	sst s10  }
0x35: {  	s10 =	sld [smem:$0x3FB5];
	_ =	sdelay $0x3  }
0x36: {  	p1 =	seq.s32 s10, $0x1;
	s10 =	sld [smem:$0x3FB6];
	_ =	sdelay $0x3  }
0x37: {  	[smem:$0x3FB6] =	sst s10  }
0x38: {  	s10 =	sld [smem:$0x3FB7]  }
0x39: {  	_ = 	snop;
	(pc) =	sbr.ind lr, $3  }
0x3a: {  	_ = 	snop  }
0x3b: {  	_ = 	snop  }
0x3c: {  	p2 =	seq.s32 s10, $0x1;
	s10 =	sld [smem:$0x3FB6]  }
0x3d: {  	_ =	shalt  }
0x3e: {  	_ =	shalt  }
0x3f: {  	_ =	shalt  }
0x40: {  	_ =	shalt  }
0x41: {  	_ =	shalt  }
0x42: {  	_ =	shalt  }
0x43: {  	_ =	shalt  }
0x44: {  	_ =	shalt  }
0x45: {  	_ =	shalt  }
0x46: {  	_ =	shalt  }
0x47: {  	_ =	shalt  }
0x48: {  	_ =	shalt  }
0x49: {  	_ =	shalt  }
0x4a: {  	_ =	shalt  }
0x4b: {  	_ =	shalt  }
0x4c: {  	_ =	shalt  }
0x4d: {  	_ =	shalt  }
0x4e: {  	_ =	shalt  }
0x4f: {  	_ =	shalt  }
0x50: {  	_ =	shalt  }
0x51: {  	_ =	shalt  }
0x52: {  	_ =	shalt  }
0x53: {  	_ =	shalt  }
0x54: {  	_ =	shalt  }
0x55: {  	_ =	shalt  }
0x56: {  	_ =	shalt  }
0x57: {  	_ =	shalt  }
0x58: {  	_ =	shalt  }
0x59: {  	_ =	shalt  }
0x5a: {  	_ =	shalt  }
0x5b: {  	_ =	shalt  }
0x5c: {  	_ =	shalt  }
0x5d: {  	_ =	shalt  }
0x5e: {  	_ =	shalt  }
0x5f: {  	_ =	shalt  }
0x60: {  	_ =	shalt  }
0x61: {  	_ =	shalt  }
0x62: {  	_ =	shalt  }
0x63: {  	_ =	shalt  }
0x64: {  	_ =	shalt  }
0x65: {  	_ =	shalt  }
0x66: {  	_ =	shalt  }
0x67: {  	_ =	shalt  }
0x68: {  	_ =	shalt  }
0x69: {  	_ =	shalt  }
0x6a: {  	_ =	shalt  }
0x6b: {  	_ =	shalt  }
0x6c: {  	_ =	shalt  }
0x6d: {  	_ =	shalt  }
0x6e: {  	_ =	shalt  }
0x6f: {  	_ =	shalt  }
0x70: {  	_ =	shalt  }
0x71: {  	_ =	shalt  }
0x72: {  	_ =	shalt  }
0x73: {  	_ =	shalt  }
0x74: {  	_ =	shalt  }
0x75: {  	_ =	shalt  }
0x76: {  	_ =	shalt  }
0x77: {  	_ =	shalt  }
0x78: {  	_ =	shalt  }
0x79: {  	_ =	shalt  }
0x7a: {  	_ =	shalt  }
0x7b: {  	_ =	shalt  }
0x7c: {  	_ =	shalt  }
0x7d: {  	_ =	shalt  }
0x7e: {  	_ =	shalt  }
0x7f: {  	_ =	shalt  }
0x80: {  	_ =	shalt  }
0x81: {  	_ =	shalt  }
0x82: {  	_ =	shalt  }
0x83: {  	_ =	shalt  }
0x84: {  	_ =	shalt  }
0x85: {  	_ =	shalt  }
0x86: {  	_ =	shalt  }
0x87: {  	_ =	shalt  }
.Lfunc_end0:
.L_simem_size_0:
called_computation.1_lowered:
.L_overlay_start_0:
0x88: {  	s2 =	sld [smem:$0x3FD9]  }
0x89: {  	s3 =	sld [smem:$0x3FFE];
	_ =	sdelay $0x1  }
0x8a: {  	s1 =	srdreg.scid  }
0x8b: {  	s0 =	sand.u32 $0x1, s1  }
0x8c: {  	s17 =	sshll.u32 s0, $0xA;
	s2 =	sadd.s32 s3, s2  }
0x8d: {  	s2 =	sadd.s32 s2, s17  }
0x8e: {  	[smem:$0x3FC2] =	sst s2  }
0x8f: {  	_ = 	snop  }
0x90: {  	s2 =	sld [smem:$0x3FD0];
	(tm) =	ssettm $0x1  }
0x91: {  	s18 =	sld [smem:$0x3FFB];
	_ =	sdelay $0x3  }
0x92: {  	_ =	strace s18  }
0x93: {  	s3 =	sld [smem:$0x3FFC];
	_ =	sdelay $0x3  }
0x94: {  	_ =	strace s3  }
0x95: {  	s3 =	sld [smem:$0x3FFD];
	_ =	sdelay $0x3  }
0x96: {  	_ =	strace s3  }
0x97: {  	_ =	strace $0x8FFFFFFF  }
0x98: {  	s19 =	sld [smem:$0x3FDB];
	_ =	sdelay $0x1  }
0x99: {  	s4 =	simm.s32 $_scs_section_size  }
0x9a: {  	s5 =	simm.s32 $_size__tile_overlayer_lowered;
	s6 =	simm.s32 $_tile_overlayer_lowered  }
0x9b: {  	s22 =	simm.s32 $0x1BFF;
	s21 =	sshll.u32 s6, $0x1;
	s3 =	sadd.s32 s4, s19  }
0x9c: {  	s7 =	simm.s32 $0x0;
	s20 =	sshll.u32 s5, $0x1;
	s5 =	sadd.s32 s21, s3  }
0x9d: {  	[timem:s7], [sflag:s22] =	dma.local [hbm:s5], s20  }
0x9e: {  	_ =	swait.ge [sflag:s22], s20  }
0x9f: {  	s4 =	ssub.s32 $0x0, s20;
	[sflag:s22] =	ssyncset.done $0x0  }
0xa0: {  	[sflag:s22] =	ssyncadd.s32 s4;
	_ =	sdelay $0x1  }
0xa1: {  	s23 =	simm.s32 $0x1B8B  }
0xa2: {  	_ =	swait.ge [sflag:s23], $0x1  }
0xa3: {  	[sflag:s23] =	ssyncset.done $0x0  }
0xa4: {  	s25 =	simm.s32 $0x1B8E;
	s24 =	sld [smem:$0x3FFE];
	[sflag:s23] =	ssyncadd.s32 $0xFFFFFFFF  }
0xa5: {  	s26 =	simm.s32 $execute0_lowered;
	[smem:$0x3FD2] =	sst s25  }
0xa6: {  	s5 =	sshll.u32 s26, $0x1;
	_ =	strace $0x80000049;
	[dreg:$0x1] =	wrdreg $0xFFFFFFFF  }
0xa7: {  	s28 =	simm.s32 $_size_execute0_lowered;
	s3 =	sadd.s32 s3, s5;
	[dreg:$0x0] =	wrdreg $0x0  }
0xa8: {  	s5 =	sshll.u32 s28, $0x1;
	[dreg:$0x2] =	wrdreg s3  }
0xa9: {  	[dreg:$0x3] =	wrdreg s5  }
0xaa: {  	[dreg:$0x4] =	wrdreg $0xC0  }
0xab: {  	_ =	task [dreg:s7], $0x5FFFF  }
0xac: {  	[dreg:$0x1] =	wrdreg $0xFFFFFFFF  }
0xad: {  	[dreg:$0x0] =	wrdreg $0x60  }
0xae: {  	[dreg:$0x2] =	wrdreg s24  }
0xaf: {  	[dreg:$0x3] =	wrdreg s2  }
0xb0: {  	[dreg:$0x4] =	wrdreg $0x150000  }
0xb1: {  	[dreg:$0x5] =	wrdreg $0x9  }
0xb2: {  	_ =	task.clear_ibuf [dreg:s7], $0x6FFFF;
	_ =	strace $0x90000049  }
0xb3: {  	s29 =	simm.s32 $0x9;
	_ =	strace $0x8000004B  }
0xb4: {  	_ =	swait.ge [sflag:s29], $0x1  }
0xb5: {  	[sflag:s29] =	ssyncadd.s32 $0xFFFFFFFF  }
0xb6: {  	_ =	strace $0x9000004B  }
0xb7: {  	_ =	sfence  }
0xb8: {  	s30 =	sld [smem:$0x0];
	_ =	sdelay $0x2  }
0xb9: {  	s31 =	sshll.u32 s1, $0xD;
	s1 =	sshrl.u32 s1, $0x2  }
0xba: {  	s3 =	sand.u32 $0x4000, s31;
	s1 =	sadd.s32 s1, s30  }
0xbb: {  	s0 =	sor.u32 s3, s0;
	s1 =	sshll.u32 s1, $0x11  }
0xbc: {  	s0 =	sor.u32 s1, s0  }
0xbd: {  	s0 =	sadd.s32 $0x8F2B, s0  }
0xbe: {  	[sflag:s0] =	ssyncadd.remote.s32 $0x1  }
0xbf: {  	_ =	sfence.sel $0xFFFF  }
0xc0: {  	[dreg:$0x0] =	wrdreg $0xFFFFFFFF;
	(pc) =	sbr.abs _section_cstart, $3  }
0xc1: {  	[dreg:$0x1] =	wrdreg $0xFFFFFFFF  }
0xc2: {  	_ =	task.clear_ibuf [dreg:s7], $0x2FFFF;
	_ =	strace $0x9FFFFFFF  }
0xc3: {  	(tm) =	ssettm $0x7FFFFFFF  }
tec
execute0_lowered:
.L_overlay_start_1:
0x0: {  	(tag) =	ssettag $0x1  }
0x1: {  	s0 =	rddreg [dreg:$0x0]  }
0x2: {  	s1 =	srdreg.scid;
	s2 =	rddreg [dreg:$0x1]  }
0x3: {  	s3 =	rddreg [dreg:$0x2];
	s10 =	stileid.u32  }
0x4: {  	s4 =	simm.s32 $0x0;
	s11 =	simm.s32 $0x9;
	s17 =	simm.s32 $0x80  }
0x5: {  	s18 =	simm.s32 $0x5000;
	s19 =	simm.s32 $0x7000;
	s29 =	simm.s32 $0xF000  }
0x6: {  	s31 =	simm.s32 $0x11000;
	s12 =	simm.s32 $0x13000;
	s28 =	simm.s32 $0x4  }
0x7: {  	s30 =	simm.s32 $0x5;
	s1 =	sand.u32 $0x1, s1;
	s9 =	smul.u32 $0x27800, s10  }
0x8: {  	[smem:$0x7FF] =	sst s4;
	s8 =	sadd.s32 $0x64800, s0;
	s22 =	smul.u32 $0x9E00, s10  }
0x9: {  	s5 =	sshll.u32 s1, $0x4;
	_ =	strace $0x8000004A;
	s6 =	smul.u32 $0x13C00, s1  }
0xa: {  	s7 =	ssub.s32 $0x2, s1;
	[dreg:$0x4] =	wrdreg s8;
	p0 =	sne.s32 s1, $0x0  }
0xb: {  	s5 =	sor.u32 s10, s5;
	s20 =	sshrl.u32 s7, $0x1;
	s24 =	sshrl.u32 s9, $0x2  }
0xc: {  	s8 =	sadd.s32 s22, s3;
	s1 =	sshll.u32 @p0 s10, $0x6;
	s5 =	smul.u32 $0x500, s5  }
0xd: {  	s21 =	ssub.s32 s7, s20;
	s7 =	sshrl.u32 s22, $0x3;
	s13 =	sor.u32 @p0 $0x1C09, s1  }
0xe: {  	s1 =	sshll.u32 @!p0 s10, $0x6;
	s16 =	sshrl.u32 @!p0 s8, $0x3;
	s20 =	simm.s32 $0x1  }
0xf: {  	s22 =	simm.s32 $0x2;
	s25 =	sadd.s32 s2, s7;
	s26 =	smax.u32 s21, $0x1  }
0x10: {  	s15 =	sor.u32 @!p0 $0x1C09, s1;
	s21 =	simm.s32 $0x9000;
	s1 =	simm.s32 $0x7  }
0x11: {  	s5 =	sadd.s32 s5, s0;
	s0 =	sadd.s32 s6, s0;
	[dreg:$0x7] =	wrdreg s25  }
0x12: {  	[dreg:$0x8] =	wrdreg s26;
	s26 =	simm.s32 $0xD000;
	s23 =	sadd.s32 $0xB800, s5  }
0x13: {  	s25 =	simm.s32 $0x3;
	s5 =	sadd.s32 $0x1200, s5;
	[dreg:$0x5] =	wrdreg s23  }
0x14: {  	s6 =	simm.s32 $0x0;
	s0 =	sadd.s32 $0x65C00, s0;
	[dreg:$0x6] =	wrdreg s5  }
0x15: {  	s5 =	sadd.s32 s24, s3;
	s23 =	simm.s32 $0xB000;
	s24 =	sadd.s32 s7, s0  }
0x16: {  	s0 =	simm.s32 $0x6;
	s14 =	sshrl.u32 @p0 s5, $0x3;
	s5 =	simm.s32 $0x8  }
.LBB2_1:
0x17: {  	s7 =	rddreg [dreg:$0x5]  }
0x18: {  	[tilespmem:s4], [sflag:$0x9] =	stream.linear.gather [hbm4b:s7+s4], $0x2800, $0x38;
	[tilespmem:$0x1EE00] =	vst v63  }
0x19: {  	_ =	swait.ge [sflag:s11], $0x2800  }
0x1a: {  	[sflag:s11] =	ssyncset.done $0x0  }
0x1b: {  	s9 =	simm.s32 $0x2800;
	s10 =	rddreg [dreg:$0x6];
	[sflag:s11] =	ssyncadd.s32 $0xFFFFD800  }
0x1c: {  	[tilespmem:s9], [sflag:$0x9] =	stream.linear.gather [hbm4b:s10+s4], $0x2800, $0x38;
	[tilespmem:$0x1EE00] =	vst v63  }
0x1d: {  	_ =	swait.ge [sflag:s11], $0x2800  }
0x1e: {  	[sflag:s11] =	ssyncset.done $0x0  }
0x1f: {  	s7 =	rddreg [dreg:$0x4];
	[sflag:s11] =	ssyncadd.s32 $0xFFFFD800  }
0x20: {  	[spmem:s14], [sflag:s13] =	dma.local @p0 [hbm:s7], $0x13C0  }
0x21: {  	s7 =	rddreg [dreg:$0x7]  }
0x22: {  	[spmem:s16], [sflag:s15] =	dma.local @!p0 [hbm:s7], $0x13C0  }
0x23: {  	_ =	swait.ge [sflag:s11], $0x13C0  }
0x24: {  	[sflag:s11] =	ssyncset.done $0x0  }
0x25: {  	[sflag:s11] =	ssyncadd.s32 $0xFFFFEC40  }
0x26: {  	[bflag:$0x0] =	sbarrier.arrive $0xFFFF  }
0x27: {  	[tilespmem:s18], [sflag:$0x1] =	stream.indirect.gather [hbm4b:s2+s17], $0x40, s4, s17, $0xb8;
	[tilespmem:$0x1EE00] =	vst v63  }
0x28: {  	_ = 	snop  }
0x29: {  	[tilespmem:s19], [sflag:$0x2] =	stream.indirect.gather [hbm4b:s2+s17], $0x40, s17, s17, $0xb8;
	[tilespmem:$0x1EE00] =	vst v63  }
0x2a: {  	s10 =	simm.s32 $0x100  }
0x2b: {  	[tilespmem:s21], [sflag:$0x3] =	stream.indirect.gather [hbm4b:s2+s17], $0x40, s10, s17, $0xb8;
	[tilespmem:$0x1EE00] =	vst v63  }
0x2c: {  	s9 =	simm.s32 $0x180  }
0x2d: {  	[tilespmem:s23], [sflag:$0x4] =	stream.indirect.gather [hbm4b:s2+s17], $0x40, s9, s17, $0xb8;
	[tilespmem:$0x1EE00] =	vst v63  }
0x2e: {  	s10 =	simm.s32 $0x200  }
0x2f: {  	[tilespmem:s26], [sflag:$0x5] =	stream.indirect.gather [hbm4b:s2+s17], $0x40, s10, s17, $0xb8;
	[tilespmem:$0x1EE00] =	vst v63  }
0x30: {  	s9 =	simm.s32 $0x280  }
0x31: {  	[tilespmem:s29], [sflag:$0x6] =	stream.indirect.gather [hbm4b:s2+s17], $0x40, s9, s17, $0xb8;
	[tilespmem:$0x1EE00] =	vst v63  }
0x32: {  	s10 =	simm.s32 $0x300  }
0x33: {  	[tilespmem:s31], [sflag:$0x7] =	stream.indirect.gather [hbm4b:s2+s17], $0x40, s10, s17, $0xb8;
	[tilespmem:$0x1EE00] =	vst v63  }
0x34: {  	s9 =	simm.s32 $0x380  }
0x35: {  	[tilespmem:s12], [sflag:$0x8] =	stream.indirect.gather [hbm4b:s2+s17], $0x40, s9, s17, $0xb8;
	[tilespmem:$0x1EE00] =	vst v63  }
0x36: {  	_ =	swait.ge [sflag:s20], $0x2000  }
0x37: {  	[sflag:s20] =	ssyncset.done $0x0  }
0x38: {  	s10 =	simm.s32 $0x2800;
	[sflag:s20] =	ssyncadd.s32 $0xFFFFE000  }
0x39: {  	[spmem:s3] =	stream.indirect.scatter.add.f32 [tilespmem:s18], [sflag:$0x9], $0x40, s10, s17, $0xb8;
	[tilespmem:$0x1EE00] =	vst v63  }
0x3a: {  	_ =	swait.ge [sflag:s11], $0x2000  }
0x3b: {  	[sflag:s11] =	ssyncset.done $0x0  }
0x3c: {  	s9 =	simm.s32 $0x400;
	[sflag:s11] =	ssyncadd.s32 $0xFFFFE000  }
0x3d: {  	[tilespmem:s18], [sflag:$0x1] =	stream.indirect.gather [hbm4b:s2+s17], $0x40, s9, s17, $0xb8;
	[tilespmem:$0x1EE00] =	vst v63  }
0x3e: {  	_ =	swait.ge [sflag:s22], $0x2000  }
0x3f: {  	[sflag:s22] =	ssyncset.done $0x0  }
0x40: {  	s10 =	simm.s32 $0x2880;
	[sflag:s22] =	ssyncadd.s32 $0xFFFFE000  }
0x41: {  	[spmem:s3] =	stream.indirect.scatter.add.f32 [tilespmem:s19], [sflag:$0x9], $0x40, s10, s17, $0xb8;
	[tilespmem:$0x1EE00] =	vst v63  }
0x42: {  	_ =	swait.ge [sflag:s11], $0x2000  }
0x43: {  	[sflag:s11] =	ssyncset.done $0x0  }
0x44: {  	s9 =	simm.s32 $0x480;
	[sflag:s11] =	ssyncadd.s32 $0xFFFFE000  }
0x45: {  	[tilespmem:s19], [sflag:$0x2] =	stream.indirect.gather [hbm4b:s2+s17], $0x40, s9, s17, $0xb8;
	[tilespmem:$0x1EE00] =	vst v63  }
0x46: {  	_ =	swait.ge [sflag:s25], $0x2000  }
0x47: {  	[sflag:s25] =	ssyncset.done $0x0  }
0x48: {  	s10 =	simm.s32 $0x2900;
	[sflag:s25] =	ssyncadd.s32 $0xFFFFE000  }
0x49: {  	[spmem:s3] =	stream.indirect.scatter.add.f32 [tilespmem:s21], [sflag:$0x9], $0x40, s10, s17, $0xb8;
	[tilespmem:$0x1EE00] =	vst v63  }
0x4a: {  	_ =	swait.ge [sflag:s11], $0x2000  }
0x4b: {  	[sflag:s11] =	ssyncset.done $0x0  }
0x4c: {  	s9 =	simm.s32 $0x500;
	[sflag:s11] =	ssyncadd.s32 $0xFFFFE000  }
0x4d: {  	[tilespmem:s21], [sflag:$0x3] =	stream.indirect.gather [hbm4b:s2+s17], $0x40, s9, s17, $0xb8;
	[tilespmem:$0x1EE00] =	vst v63  }
0x4e: {  	_ =	swait.ge [sflag:s28], $0x2000  }
0x4f: {  	[sflag:s28] =	ssyncset.done $0x0  }
0x50: {  	s10 =	simm.s32 $0x2980;
	[sflag:s28] =	ssyncadd.s32 $0xFFFFE000  }
0x51: {  	[spmem:s3] =	stream.indirect.scatter.add.f32 [tilespmem:s23], [sflag:$0x9], $0x40, s10, s17, $0xb8;
	[tilespmem:$0x1EE00] =	vst v63  }
0x52: {  	_ =	swait.ge [sflag:s11], $0x2000  }
0x53: {  	[sflag:s11] =	ssyncset.done $0x0  }
0x54: {  	s9 =	simm.s32 $0x580;
	[sflag:s11] =	ssyncadd.s32 $0xFFFFE000  }
0x55: {  	[tilespmem:s23], [sflag:$0x4] =	stream.indirect.gather [hbm4b:s2+s17], $0x40, s9, s17, $0xb8;
	[tilespmem:$0x1EE00] =	vst v63  }
0x56: {  	_ =	swait.ge [sflag:s30], $0x2000  }
0x57: {  	[sflag:s30] =	ssyncset.done $0x0  }
0x58: {  	s10 =	simm.s32 $0x2A00;
	[sflag:s30] =	ssyncadd.s32 $0xFFFFE000  }
0x59: {  	[spmem:s3] =	stream.indirect.scatter.add.f32 [tilespmem:s26], [sflag:$0x9], $0x40, s10, s17, $0xb8;
	[tilespmem:$0x1EE00] =	vst v63  }
0x5a: {  	_ =	swait.ge [sflag:s11], $0x2000  }
0x5b: {  	[sflag:s11] =	ssyncset.done $0x0  }
0x5c: {  	s9 =	simm.s32 $0x600;
	[sflag:s11] =	ssyncadd.s32 $0xFFFFE000  }
0x5d: {  	[tilespmem:s26], [sflag:$0x5] =	stream.indirect.gather [hbm4b:s2+s17], $0x40, s9, s17, $0xb8;
	[tilespmem:$0x1EE00] =	vst v63  }
0x5e: {  	_ =	swait.ge [sflag:s0], $0x2000  }
0x5f: {  	[sflag:s0] =	ssyncset.done $0x0  }
0x60: {  	s10 =	simm.s32 $0x2A80;
	[sflag:s0] =	ssyncadd.s32 $0xFFFFE000  }
0x61: {  	[spmem:s3] =	stream.indirect.scatter.add.f32 [tilespmem:s29], [sflag:$0x9], $0x40, s10, s17, $0xb8;
	[tilespmem:$0x1EE00] =	vst v63  }
0x62: {  	_ =	swait.ge [sflag:s11], $0x2000  }
0x63: {  	[sflag:s11] =	ssyncset.done $0x0  }
0x64: {  	s9 =	simm.s32 $0x680;
	[sflag:s11] =	ssyncadd.s32 $0xFFFFE000  }
0x65: {  	[tilespmem:s29], [sflag:$0x6] =	stream.indirect.gather [hbm4b:s2+s17], $0x40, s9, s17, $0xb8;
	[tilespmem:$0x1EE00] =	vst v63  }
0x66: {  	_ =	swait.ge [sflag:s1], $0x2000  }
0x67: {  	[sflag:s1] =	ssyncset.done $0x0  }
0x68: {  	s10 =	simm.s32 $0x2B00;
	[sflag:s1] =	ssyncadd.s32 $0xFFFFE000  }
0x69: {  	[spmem:s3] =	stream.indirect.scatter.add.f32 [tilespmem:s31], [sflag:$0x9], $0x40, s10, s17, $0xb8;
	[tilespmem:$0x1EE00] =	vst v63  }
0x6a: {  	_ =	swait.ge [sflag:s11], $0x2000  }
0x6b: {  	[sflag:s11] =	ssyncset.done $0x0  }
0x6c: {  	s9 =	simm.s32 $0x700;
	[sflag:s11] =	ssyncadd.s32 $0xFFFFE000  }
0x6d: {  	[tilespmem:s31], [sflag:$0x7] =	stream.indirect.gather [hbm4b:s2+s17], $0x40, s9, s17, $0xb8;
	[tilespmem:$0x1EE00] =	vst v63  }
0x6e: {  	_ =	swait.ge [sflag:s5], $0x2000  }
0x6f: {  	[sflag:s5] =	ssyncset.done $0x0  }
0x70: {  	s10 =	simm.s32 $0x2B80;
	[sflag:s5] =	ssyncadd.s32 $0xFFFFE000  }
0x71: {  	[spmem:s3] =	stream.indirect.scatter.add.f32 [tilespmem:s12], [sflag:$0x9], $0x40, s10, s17, $0xb8;
	[tilespmem:$0x1EE00] =	vst v63  }
0x72: {  	_ =	swait.ge [sflag:s11], $0x2000  }
0x73: {  	[sflag:s11] =	ssyncset.done $0x0  }
0x74: {  	s7 =	simm.s32 $0x1000;
	s9 =	simm.s32 $0x780;
	[sflag:s11] =	ssyncadd.s32 $0xFFFFE000  }
.LBB2_2:
0x75: {  	[tilespmem:s12], [sflag:$0x8] =	stream.indirect.gather [hbm4b:s2+s17], $0x40, s9, s17, $0xb8;
	[tilespmem:$0x1EE00] =	vst v63  }
0x76: {  	s9 =	smov.u32 s7  }
0x77: {  	p1 =	sne.s32 s7, $0x8000;
	s7 =	sadd.s32 $0x1000, s7;
	_ =	swait.ge [sflag:s20], $0x2000  }
0x78: {  	s9 =	sshra.s32 s9, $0x2;
	[sflag:s20] =	ssyncset.done $0x0  }
0x79: {  	s10 =	sadd.s32 $0x2800, s9;
	[sflag:s20] =	ssyncadd.s32 $0xFFFFE000  }
0x7a: {  	[spmem:s3] =	stream.indirect.scatter.add.f32 [tilespmem:s18], [sflag:$0x9], $0x40, s10, s17, $0xb8;
	[tilespmem:$0x1EE00] =	vst v63  }
0x7b: {  	_ =	swait.ge [sflag:s11], $0x2000  }
0x7c: {  	[sflag:s11] =	ssyncset.done $0x0  }
0x7d: {  	s10 =	sadd.s32 $0x400, s9;
	[sflag:s11] =	ssyncadd.s32 $0xFFFFE000  }
0x7e: {  	[tilespmem:s18], [sflag:$0x1] =	stream.indirect.gather [hbm4b:s2+s17], $0x40, s10, s17, $0xb8;
	[tilespmem:$0x1EE00] =	vst v63  }
0x7f: {  	_ =	swait.ge [sflag:s22], $0x2000  }
0x80: {  	[sflag:s22] =	ssyncset.done $0x0  }
0x81: {  	s10 =	sadd.s32 $0x2880, s9;
	[sflag:s22] =	ssyncadd.s32 $0xFFFFE000  }
0x82: {  	[spmem:s3] =	stream.indirect.scatter.add.f32 [tilespmem:s19], [sflag:$0x9], $0x40, s10, s17, $0xb8;
	[tilespmem:$0x1EE00] =	vst v63  }
0x83: {  	_ =	swait.ge [sflag:s11], $0x2000  }
0x84: {  	[sflag:s11] =	ssyncset.done $0x0  }
0x85: {  	s10 =	sadd.s32 $0x480, s9;
	[sflag:s11] =	ssyncadd.s32 $0xFFFFE000  }
0x86: {  	[tilespmem:s19], [sflag:$0x2] =	stream.indirect.gather [hbm4b:s2+s17], $0x40, s10, s17, $0xb8;
	[tilespmem:$0x1EE00] =	vst v63  }
0x87: {  	_ =	swait.ge [sflag:s25], $0x2000  }
0x88: {  	[sflag:s25] =	ssyncset.done $0x0  }
0x89: {  	s10 =	sadd.s32 $0x2900, s9;
	[sflag:s25] =	ssyncadd.s32 $0xFFFFE000  }
0x8a: {  	[spmem:s3] =	stream.indirect.scatter.add.f32 [tilespmem:s21], [sflag:$0x9], $0x40, s10, s17, $0xb8;
	[tilespmem:$0x1EE00] =	vst v63  }
0x8b: {  	_ =	swait.ge [sflag:s11], $0x2000  }
0x8c: {  	[sflag:s11] =	ssyncset.done $0x0  }
0x8d: {  	s10 =	sadd.s32 $0x500, s9;
	[sflag:s11] =	ssyncadd.s32 $0xFFFFE000  }
0x8e: {  	[tilespmem:s21], [sflag:$0x3] =	stream.indirect.gather [hbm4b:s2+s17], $0x40, s10, s17, $0xb8;
	[tilespmem:$0x1EE00] =	vst v63  }
0x8f: {  	_ =	swait.ge [sflag:s28], $0x2000  }
0x90: {  	[sflag:s28] =	ssyncset.done $0x0  }
0x91: {  	s10 =	sadd.s32 $0x2980, s9;
	[sflag:s28] =	ssyncadd.s32 $0xFFFFE000  }
0x92: {  	[spmem:s3] =	stream.indirect.scatter.add.f32 [tilespmem:s23], [sflag:$0x9], $0x40, s10, s17, $0xb8;
	[tilespmem:$0x1EE00] =	vst v63  }
0x93: {  	_ =	swait.ge [sflag:s11], $0x2000  }
0x94: {  	[sflag:s11] =	ssyncset.done $0x0  }
0x95: {  	s10 =	sadd.s32 $0x580, s9;
	[sflag:s11] =	ssyncadd.s32 $0xFFFFE000  }
0x96: {  	[tilespmem:s23], [sflag:$0x4] =	stream.indirect.gather [hbm4b:s2+s17], $0x40, s10, s17, $0xb8;
	[tilespmem:$0x1EE00] =	vst v63  }
0x97: {  	_ =	swait.ge [sflag:s30], $0x2000  }
0x98: {  	[sflag:s30] =	ssyncset.done $0x0  }
0x99: {  	s10 =	sadd.s32 $0x2A00, s9;
	[sflag:s30] =	ssyncadd.s32 $0xFFFFE000  }
0x9a: {  	[spmem:s3] =	stream.indirect.scatter.add.f32 [tilespmem:s26], [sflag:$0x9], $0x40, s10, s17, $0xb8;
	[tilespmem:$0x1EE00] =	vst v63  }
0x9b: {  	_ =	swait.ge [sflag:s11], $0x2000  }
0x9c: {  	[sflag:s11] =	ssyncset.done $0x0  }
0x9d: {  	s10 =	sadd.s32 $0x600, s9;
	[sflag:s11] =	ssyncadd.s32 $0xFFFFE000  }
0x9e: {  	[tilespmem:s26], [sflag:$0x5] =	stream.indirect.gather [hbm4b:s2+s17], $0x40, s10, s17, $0xb8;
	[tilespmem:$0x1EE00] =	vst v63  }
0x9f: {  	_ =	swait.ge [sflag:s0], $0x2000  }
0xa0: {  	[sflag:s0] =	ssyncset.done $0x0  }
0xa1: {  	s10 =	sadd.s32 $0x2A80, s9;
	[sflag:s0] =	ssyncadd.s32 $0xFFFFE000  }
0xa2: {  	[spmem:s3] =	stream.indirect.scatter.add.f32 [tilespmem:s29], [sflag:$0x9], $0x40, s10, s17, $0xb8;
	[tilespmem:$0x1EE00] =	vst v63  }
0xa3: {  	_ =	swait.ge [sflag:s11], $0x2000  }
0xa4: {  	[sflag:s11] =	ssyncset.done $0x0  }
0xa5: {  	s10 =	sadd.s32 $0x680, s9;
	[sflag:s11] =	ssyncadd.s32 $0xFFFFE000  }
0xa6: {  	[tilespmem:s29], [sflag:$0x6] =	stream.indirect.gather [hbm4b:s2+s17], $0x40, s10, s17, $0xb8;
	[tilespmem:$0x1EE00] =	vst v63  }
0xa7: {  	_ =	swait.ge [sflag:s1], $0x2000  }
0xa8: {  	[sflag:s1] =	ssyncset.done $0x0  }
0xa9: {  	s10 =	sadd.s32 $0x2B00, s9;
	[sflag:s1] =	ssyncadd.s32 $0xFFFFE000  }
0xaa: {  	[spmem:s3] =	stream.indirect.scatter.add.f32 [tilespmem:s31], [sflag:$0x9], $0x40, s10, s17, $0xb8;
	[tilespmem:$0x1EE00] =	vst v63  }
0xab: {  	_ =	swait.ge [sflag:s11], $0x2000  }
0xac: {  	[sflag:s11] =	ssyncset.done $0x0  }
0xad: {  	s10 =	sadd.s32 $0x700, s9;
	[sflag:s11] =	ssyncadd.s32 $0xFFFFE000  }
0xae: {  	[tilespmem:s31], [sflag:$0x7] =	stream.indirect.gather [hbm4b:s2+s17], $0x40, s10, s17, $0xb8;
	[tilespmem:$0x1EE00] =	vst v63  }
0xaf: {  	_ =	swait.ge [sflag:s5], $0x2000  }
0xb0: {  	[sflag:s5] =	ssyncset.done $0x0  }
.Ltmp0:
0xb1: {  	s10 =	sadd.s32 $0x2B80, s9;
	[sflag:s5] =	ssyncadd.s32 $0xFFFFE000;
	(pc) =	sbr.rel @p1 .LBB2_2-.Ltmp0, $4  }
0xb2: {  	[spmem:s3] =	stream.indirect.scatter.add.f32 [tilespmem:s12], [sflag:$0x9], $0x40, s10, s17, $0xb8;
	[tilespmem:$0x1EE00] =	vst v63  }
0xb3: {  	_ =	swait.ge [sflag:s11], $0x2000  }
0xb4: {  	[sflag:s11] =	ssyncset.done $0x0  }
0xb5: {  	s9 =	sadd.s32 $0x780, s9;
	[sflag:s11] =	ssyncadd.s32 $0xFFFFE000  }
0xb6: {  	[tilespmem:s12], [sflag:$0x8] =	stream.indirect.gather [hbm4b:s2+s17], $0x40, s9, s17, $0xb8;
	[tilespmem:$0x1EE00] =	vst v63  }
0xb7: {  	_ =	swait.ge [sflag:s20], $0x2000  }
0xb8: {  	[sflag:s20] =	ssyncset.done $0x0  }
0xb9: {  	s7 =	simm.s32 $0x4C00;
	[sflag:s20] =	ssyncadd.s32 $0xFFFFE000  }
0xba: {  	[spmem:s3] =	stream.indirect.scatter.add.f32 [tilespmem:s18], [sflag:$0x9], $0x40, s7, s17, $0xb8;
	[tilespmem:$0x1EE00] =	vst v63  }
0xbb: {  	_ =	swait.ge [sflag:s11], $0x2000  }
0xbc: {  	[sflag:s11] =	ssyncset.done $0x0  }
0xbd: {  	[sflag:s11] =	ssyncadd.s32 $0xFFFFE000  }
0xbe: {  	_ =	swait.ge [sflag:s22], $0x2000  }
0xbf: {  	[sflag:s22] =	ssyncset.done $0x0  }
0xc0: {  	s10 =	simm.s32 $0x4C80;
	[sflag:s22] =	ssyncadd.s32 $0xFFFFE000  }
0xc1: {  	[spmem:s3] =	stream.indirect.scatter.add.f32 [tilespmem:s19], [sflag:$0x9], $0x40, s10, s17, $0xb8;
	[tilespmem:$0x1EE00] =	vst v63  }
0xc2: {  	_ =	swait.ge [sflag:s11], $0x2000  }
0xc3: {  	[sflag:s11] =	ssyncset.done $0x0  }
0xc4: {  	[sflag:s11] =	ssyncadd.s32 $0xFFFFE000  }
0xc5: {  	_ =	swait.ge [sflag:s25], $0x2000  }
0xc6: {  	[sflag:s25] =	ssyncset.done $0x0  }
0xc7: {  	s9 =	simm.s32 $0x4D00;
	[sflag:s25] =	ssyncadd.s32 $0xFFFFE000  }
0xc8: {  	[spmem:s3] =	stream.indirect.scatter.add.f32 [tilespmem:s21], [sflag:$0x9], $0x40, s9, s17, $0xb8;
	[tilespmem:$0x1EE00] =	vst v63  }
0xc9: {  	_ =	swait.ge [sflag:s11], $0x2000  }
0xca: {  	[sflag:s11] =	ssyncset.done $0x0  }
0xcb: {  	[sflag:s11] =	ssyncadd.s32 $0xFFFFE000  }
0xcc: {  	_ =	swait.ge [sflag:s28], $0x2000  }
0xcd: {  	[sflag:s28] =	ssyncset.done $0x0  }
0xce: {  	s10 =	simm.s32 $0x4D80;
	[sflag:s28] =	ssyncadd.s32 $0xFFFFE000  }
0xcf: {  	[spmem:s3] =	stream.indirect.scatter.add.f32 [tilespmem:s23], [sflag:$0x9], $0x40, s10, s17, $0xb8;
	[tilespmem:$0x1EE00] =	vst v63  }
0xd0: {  	_ =	swait.ge [sflag:s11], $0x2000  }
0xd1: {  	[sflag:s11] =	ssyncset.done $0x0  }
0xd2: {  	[sflag:s11] =	ssyncadd.s32 $0xFFFFE000  }
0xd3: {  	_ =	swait.ge [sflag:s30], $0x2000  }
0xd4: {  	[sflag:s30] =	ssyncset.done $0x0  }
0xd5: {  	s9 =	simm.s32 $0x4E00;
	[sflag:s30] =	ssyncadd.s32 $0xFFFFE000  }
0xd6: {  	[spmem:s3] =	stream.indirect.scatter.add.f32 [tilespmem:s26], [sflag:$0x9], $0x40, s9, s17, $0xb8;
	[tilespmem:$0x1EE00] =	vst v63  }
0xd7: {  	_ =	swait.ge [sflag:s11], $0x2000  }
0xd8: {  	[sflag:s11] =	ssyncset.done $0x0  }
0xd9: {  	[sflag:s11] =	ssyncadd.s32 $0xFFFFE000  }
0xda: {  	_ =	swait.ge [sflag:s0], $0x2000  }
0xdb: {  	[sflag:s0] =	ssyncset.done $0x0  }
0xdc: {  	s10 =	simm.s32 $0x4E80;
	[sflag:s0] =	ssyncadd.s32 $0xFFFFE000  }
0xdd: {  	[spmem:s3] =	stream.indirect.scatter.add.f32 [tilespmem:s29], [sflag:$0x9], $0x40, s10, s17, $0xb8;
	[tilespmem:$0x1EE00] =	vst v63  }
0xde: {  	_ =	swait.ge [sflag:s11], $0x2000  }
0xdf: {  	[sflag:s11] =	ssyncset.done $0x0  }
0xe0: {  	[sflag:s11] =	ssyncadd.s32 $0xFFFFE000  }
0xe1: {  	_ =	swait.ge [sflag:s1], $0x2000  }
0xe2: {  	[sflag:s1] =	ssyncset.done $0x0  }
0xe3: {  	s9 =	simm.s32 $0x4F00;
	[sflag:s1] =	ssyncadd.s32 $0xFFFFE000  }
0xe4: {  	[spmem:s3] =	stream.indirect.scatter.add.f32 [tilespmem:s31], [sflag:$0x9], $0x40, s9, s17, $0xb8;
	[tilespmem:$0x1EE00] =	vst v63  }
0xe5: {  	_ =	swait.ge [sflag:s11], $0x2000  }
0xe6: {  	[sflag:s11] =	ssyncset.done $0x0  }
0xe7: {  	[sflag:s11] =	ssyncadd.s32 $0xFFFFE000  }
0xe8: {  	_ =	swait.ge [sflag:s5], $0x2000  }
0xe9: {  	[sflag:s5] =	ssyncset.done $0x0  }
0xea: {  	s10 =	simm.s32 $0x4F80;
	[sflag:s5] =	ssyncadd.s32 $0xFFFFE000  }
0xeb: {  	[spmem:s3] =	stream.indirect.scatter.add.f32 [tilespmem:s12], [sflag:$0x9], $0x40, s10, s17, $0xb8;
	[tilespmem:$0x1EE00] =	vst v63  }
0xec: {  	_ =	swait.ge [sflag:s11], $0x2000  }
0xed: {  	s9 =	stileid.u32;
	[sflag:s11] =	ssyncset.done $0x0  }
0xee: {  	s7 =	sshll.u32 s9, $0x6;
	[sflag:s11] =	ssyncadd.s32 $0xFFFFE000  }
0xef: {  	s7 =	sor.u32 $0x1C09, s7;
	s10 =	sshrl.u32 s8, $0x3;
	[bflag:$0x0] =	sbarrier.arrive $0xFFFF  }
0xf0: {  	[hbm:s24], [sflag:s7] =	dma.local [spmem:s10], $0x13C0  }
0xf1: {  	_ =	swait.ge [sflag:s11], $0x13C0  }
0xf2: {  	s6 =	sadd.s32 $0x1, s6;
	s10 =	rddreg [dreg:$0x8]  }
0xf3: {  	p1 =	sne.s32 s6, s10  }
.Ltmp1:
0xf4: {  	_ = 	snop;
	(pc) =	sbr.rel @p1 .LBB2_1-.Ltmp1, $3  }
0xf5: {  	_ =	sdelay $0x1  }
0xf6: {  	[sflag:s11] =	ssyncset.done $0x0  }
0xf7: {  	[sflag:s11] =	ssyncadd.s32 $0xFFFFEC40  }
0xf8: {  	_ =	sfence.sel $0x180000  }
0xf9: {  	[bflag:$0x0] =	sbarrier.arrive $0xFFFF  }
0xfa: {  	_ =	strace $0x9000004A  }
0xfb: {  	s0 =	stileid.u32;
	[bflag:$0x2] =	sbarrier.arrive $0xFFFF  }
0xfc: {  	p0 =	sne.s32 s0, $0x0;
	s0 =	rddreg [dreg:$0x3]  }
0xfd: {  	s0 =	sadd.s32 @!p0 $0x100000, s0  }
0xfe: {  	[sflag:s0] =	ssyncadd.tile.s32 @!p0 $0x1;
	_ =	shalt  }
.Lfunc_end2:
_tile_overlayer_lowered:
.L_overlay_start_2:
0xff: {  	(tag) =	ssettag $0x2  }
0x100: {  	s0 =	rddreg [dreg:$0x0];
	s2 =	stileid.u32  }
0x101: {  	s1 =	rddreg [dreg:$0x1];
	p0 =	sne.s32 s2, $0x0  }
0x102: {  	s3 =	rddreg [dreg:$0x2];
	[bflag:$0x3] =	sbarrier.arrive $0xFFFF;
	s2 =	simm.s32 @!p0 $0x1C09  }
0x103: {  	[timem:s3], [sflag:s2] =	dma.local @!p0 [hbm:s0], s1  }
0x104: {  	s0 =	simm.s32 @!p0 $0x9  }
0x105: {  	_ =	swait.ge @!p0 [sflag:s0], s1  }
0x106: {  	s1 =	ssub.s32 @!p0 $0x0, s1;
	[sflag:s0] =	ssyncset.done @!p0 $0x0  }
0x107: {  	[sflag:s0] =	ssyncadd.s32 @!p0 s1  }
0x108: {  	[bflag:$0x3] =	sbarrier.arrive $0xFFFF  }
0x109: {  	_ =	shalt  }

// kernel: kernel.7.cloned.1.call-start
scs
__scs_entry_jumppad:
0x0: {  	(pc) =	sbr.rel $0x88, $3  }
0x1: {  	(tag) =	ssettag $0x0;
	lr =	simm.s32 $0x1  }
0x2: {  	[smem:$0x3F9B] =	sst lr;
	_ =	strace $0xD0000000  }
0x3: {  	_ = 	snop  }
0x4: {  	_ = 	snop  }
0x5: {  	_ = 	snop  }
0x6: {  	_ = 	snop  }
0x7: {  	_ = 	snop  }
__scs_overlays_trampoline_lowered:
0x8: {  	[smem:$0x3FAA] =	sst s0  }
0x9: {  	[smem:$0x3FAB] =	sst s1  }
0xa: {  	[smem:$0x3FAC] =	sst s2  }
0xb: {  	[smem:$0x3FAD] =	sst s3  }
0xc: {  	[smem:$0x3FAE] =	sst s4  }
0xd: {  	[smem:$0x3FAF] =	sst s5  }
0xe: {  	[smem:$0x3FB0] =	sst s6  }
0xf: {  	[smem:$0x3FB1] =	sst s7  }
0x10: {  	[smem:$0x3FB2] =	sst s8  }
0x11: {  	[smem:$0x3FB3] =	sst s9;
	s0 =	simm.s32 @!p0 $0x0  }
0x12: {  	s1 =	sld [smem:$0x3F99];
	s0 =	simm.s32 @p0 $0x1  }
0x13: {  	[smem:$0x3FB4] =	sst s0;
	s0 =	simm.s32 @!p1 $0x0  }
0x14: {  	s2 =	sld [smem:$0x3F98];
	s0 =	simm.s32 @p1 $0x1  }
0x15: {  	[smem:$0x3FB5] =	sst s0;
	s0 =	simm.s32 @!p2 $0x0  }
0x16: {  	s3 =	sld [smem:$0x3FDB];
	s0 =	simm.s32 @p2 $0x1  }
0x17: {  	s4 =	simm.s32 $0x1BF5;
	[smem:$0x3FB7] =	sst s0  }
0x18: {  	s0 =	sld [smem:$0x3F9A];
	_ =	swait.ge [sflag:s4], $0x0  }
0x19: {  	s7 =	sld [smem:$0x3F9B]  }
0x1a: {  	s8 =	sadd.s32 $0xFFFFE003, lr  }
0x1b: {  	s9 =	sadd.s32 $0xFFFFFEF7, lr;
	s5 =	simm.s32 $0xFFFFFFFF;
	p2 =	slt.u32 s8, $0xFFFFF086  }
0x1c: {  	p1 =	slt.u32 s9, $0xF7A;
	s5 =	simm.s32 @!p2 $0x0  }
0x1d: {  	s5 =	simm.s32 @p1 $0x1;
	p0 =	seq.s32 s7, s2  }
0x1e: {  	s7 =	smul.u32 @!p0 $0xF7A, s2;
	p2 =	seq.s32 @!p0 s5, $0x0  }
0x1f: {  	s9 =	smul.u32 $0xF7A, s1;
	s8 =	simm.s32 @!p0 $0x1BF5;
	p2 =	por !p2, p0  }
0x20: {  	[sflag:s8] =	ssyncset.s32 @!p0 $0xFFFFF086;
	s6 =	sadd.s32 @!p0 s3, s7;
	s7 =	simm.s32 @!p0 $0x108  }
0x21: {  	s3 =	sadd.s32 s3, s9;
	s6 =	sadd.s32 @!p0 $0x88, s6;
	s7 =	simm.s32 @p2 $0x1082  }
0x22: {  	[simem:s7], [sflag:s8] =	dma.local @!p0 [hbm:s6], $0xF7A  }
0x23: {  	s9 =	sor.u32 $0xD0000000, s2;
	s6 =	simm.s32 $0x108;
	_ =	swait.ge @!p0 [sflag:s8], $0x0  }
0x24: {  	s3 =	sadd.s32 $0x88, s3;
	s6 =	simm.s32 @!p1 $0x1082;
	[sflag:s4] =	ssyncset.s32 $0xFFFFF086  }
0x25: {  	[simem:s6], [sflag:s4] =	dma.local [hbm:s3], $0xF7A  }
0x26: {  	[smem:$0x3F9B] =	sst s1;
	(tag) =	ssettag s2;
	_ =	strace s9  }
0x27: {  	s1 =	sld [smem:$0x3FAB]  }
0x28: {  	s2 =	sld [smem:$0x3FAC]  }
0x29: {  	s4 =	sld [smem:$0x3FAE]  }
0x2a: {  	p0 =	seq.s32 s5, $0x0;
	s5 =	sld [smem:$0x3FAF]  }
0x2b: {  	s6 =	sld [smem:$0x3FB0]  }
0x2c: {  	s7 =	sld [smem:$0x3FB1]  }
0x2d: {  	s3 =	simm.s32 $0x108;
	s8 =	sld [smem:$0x3FB2]  }
0x2e: {  	s3 =	simm.s32 @!p0 $0x1082;
	s9 =	sld [smem:$0x3FB3]  }
0x2f: {  	lr =	sadd.s32 s0, s3;
	s0 =	sld [smem:$0x3FAA]  }
0x30: {  	s3 =	sld [smem:$0x3FAD]  }
0x31: {  	[smem:$0x3FB6] =	sst s10  }
0x32: {  	s10 =	sld [smem:$0x3FB4];
	_ =	sdelay $0x3  }
0x33: {  	p0 =	seq.s32 s10, $0x1;
	s10 =	sld [smem:$0x3FB6];
	_ =	sdelay $0x3  }
0x34: {  	[smem:$0x3FB6] =	sst s10  }
0x35: {  	s10 =	sld [smem:$0x3FB5];
	_ =	sdelay $0x3  }
0x36: {  	p1 =	seq.s32 s10, $0x1;
	s10 =	sld [smem:$0x3FB6];
	_ =	sdelay $0x3  }
0x37: {  	[smem:$0x3FB6] =	sst s10  }
0x38: {  	s10 =	sld [smem:$0x3FB7]  }
0x39: {  	_ = 	snop;
	(pc) =	sbr.ind lr, $3  }
0x3a: {  	_ = 	snop  }
0x3b: {  	_ = 	snop  }
0x3c: {  	p2 =	seq.s32 s10, $0x1;
	s10 =	sld [smem:$0x3FB6]  }
0x3d: {  	_ =	shalt  }
0x3e: {  	_ =	shalt  }
0x3f: {  	_ =	shalt  }
0x40: {  	_ =	shalt  }
0x41: {  	_ =	shalt  }
0x42: {  	_ =	shalt  }
0x43: {  	_ =	shalt  }
0x44: {  	_ =	shalt  }
0x45: {  	_ =	shalt  }
0x46: {  	_ =	shalt  }
0x47: {  	_ =	shalt  }
0x48: {  	_ =	shalt  }
0x49: {  	_ =	shalt  }
0x4a: {  	_ =	shalt  }
0x4b: {  	_ =	shalt  }
0x4c: {  	_ =	shalt  }
0x4d: {  	_ =	shalt  }
0x4e: {  	_ =	shalt  }
0x4f: {  	_ =	shalt  }
0x50: {  	_ =	shalt  }
0x51: {  	_ =	shalt  }
0x52: {  	_ =	shalt  }
0x53: {  	_ =	shalt  }
0x54: {  	_ =	shalt  }
0x55: {  	_ =	shalt  }
0x56: {  	_ =	shalt  }
0x57: {  	_ =	shalt  }
0x58: {  	_ =	shalt  }
0x59: {  	_ =	shalt  }
0x5a: {  	_ =	shalt  }
0x5b: {  	_ =	shalt  }
0x5c: {  	_ =	shalt  }
0x5d: {  	_ =	shalt  }
0x5e: {  	_ =	shalt  }
0x5f: {  	_ =	shalt  }
0x60: {  	_ =	shalt  }
0x61: {  	_ =	shalt  }
0x62: {  	_ =	shalt  }
0x63: {  	_ =	shalt  }
0x64: {  	_ =	shalt  }
0x65: {  	_ =	shalt  }
0x66: {  	_ =	shalt  }
0x67: {  	_ =	shalt  }
0x68: {  	_ =	shalt  }
0x69: {  	_ =	shalt  }
0x6a: {  	_ =	shalt  }
0x6b: {  	_ =	shalt  }
0x6c: {  	_ =	shalt  }
0x6d: {  	_ =	shalt  }
0x6e: {  	_ =	shalt  }
0x6f: {  	_ =	shalt  }
0x70: {  	_ =	shalt  }
0x71: {  	_ =	shalt  }
0x72: {  	_ =	shalt  }
0x73: {  	_ =	shalt  }
0x74: {  	_ =	shalt  }
0x75: {  	_ =	shalt  }
0x76: {  	_ =	shalt  }
0x77: {  	_ =	shalt  }
0x78: {  	_ =	shalt  }
0x79: {  	_ =	shalt  }
0x7a: {  	_ =	shalt  }
0x7b: {  	_ =	shalt  }
0x7c: {  	_ =	shalt  }
0x7d: {  	_ =	shalt  }
0x7e: {  	_ =	shalt  }
0x7f: {  	_ =	shalt  }
0x80: {  	_ =	shalt  }
0x81: {  	_ =	shalt  }
0x82: {  	_ =	shalt  }
0x83: {  	_ =	shalt  }
0x84: {  	_ =	shalt  }
0x85: {  	_ =	shalt  }
0x86: {  	_ =	shalt  }
0x87: {  	_ =	shalt  }
.Lfunc_end0:
.L_simem_size_0:
called_computation_lowered:
.L_overlay_start_0:
0x88: {  	s2 =	sld [smem:$0x3FD9]  }
0x89: {  	s3 =	sld [smem:$0x3FFE];
	_ =	sdelay $0x1  }
0x8a: {  	s1 =	srdreg.scid  }
0x8b: {  	s0 =	sand.u32 $0x1, s1  }
0x8c: {  	s17 =	sshll.u32 s0, $0xA;
	s2 =	sadd.s32 s3, s2  }
0x8d: {  	s2 =	sadd.s32 s2, s17  }
0x8e: {  	[smem:$0x3FC2] =	sst s2  }
0x8f: {  	_ = 	snop  }
0x90: {  	s2 =	sld [smem:$0x3FD0];
	(tm) =	ssettm $0x1  }
0x91: {  	s18 =	sld [smem:$0x3FFB];
	_ =	sdelay $0x3  }
0x92: {  	_ =	strace s18  }
0x93: {  	s3 =	sld [smem:$0x3FFC];
	_ =	sdelay $0x3  }
0x94: {  	_ =	strace s3  }
0x95: {  	s3 =	sld [smem:$0x3FFD];
	_ =	sdelay $0x3  }
0x96: {  	_ =	strace s3  }
0x97: {  	_ =	strace $0x8FFFFFFF  }
0x98: {  	s19 =	sld [smem:$0x3FDB];
	_ =	sdelay $0x1  }
0x99: {  	s4 =	simm.s32 $_scs_section_size  }
0x9a: {  	s5 =	simm.s32 $_size__tile_overlayer_lowered;
	s6 =	simm.s32 $_tile_overlayer_lowered  }
0x9b: {  	s22 =	simm.s32 $0x1BFF;
	s21 =	sshll.u32 s6, $0x1;
	s3 =	sadd.s32 s4, s19  }
0x9c: {  	s7 =	simm.s32 $0x0;
	s20 =	sshll.u32 s5, $0x1;
	s5 =	sadd.s32 s21, s3  }
0x9d: {  	[timem:s7], [sflag:s22] =	dma.local [hbm:s5], s20  }
0x9e: {  	_ =	swait.ge [sflag:s22], s20  }
0x9f: {  	s4 =	ssub.s32 $0x0, s20;
	[sflag:s22] =	ssyncset.done $0x0  }
0xa0: {  	[sflag:s22] =	ssyncadd.s32 s4;
	_ =	sdelay $0x1  }
0xa1: {  	s23 =	simm.s32 $0x1B8B  }
0xa2: {  	_ =	swait.ge [sflag:s23], $0x1  }
0xa3: {  	[sflag:s23] =	ssyncset.done $0x0  }
0xa4: {  	s25 =	simm.s32 $0x1B8E;
	s24 =	sld [smem:$0x3FFE];
	[sflag:s23] =	ssyncadd.s32 $0xFFFFFFFF  }
0xa5: {  	s26 =	simm.s32 $execute0_lowered;
	[smem:$0x3FD2] =	sst s25  }
0xa6: {  	s5 =	sshll.u32 s26, $0x1;
	_ =	strace $0x80000046;
	[dreg:$0x1] =	wrdreg $0xFFFFFFFF  }
0xa7: {  	s28 =	simm.s32 $_size_execute0_lowered;
	s3 =	sadd.s32 s3, s5;
	[dreg:$0x0] =	wrdreg $0x0  }
0xa8: {  	s5 =	sshll.u32 s28, $0x1;
	[dreg:$0x2] =	wrdreg s3  }
0xa9: {  	[dreg:$0x3] =	wrdreg s5  }
0xaa: {  	[dreg:$0x4] =	wrdreg $0xC0  }
0xab: {  	_ =	task [dreg:s7], $0x5FFFF  }
0xac: {  	[dreg:$0x1] =	wrdreg $0xFFFFFFFF  }
0xad: {  	[dreg:$0x0] =	wrdreg $0x60  }
0xae: {  	[dreg:$0x2] =	wrdreg s24  }
0xaf: {  	[dreg:$0x3] =	wrdreg s2  }
0xb0: {  	[dreg:$0x4] =	wrdreg $0x2C000  }
0xb1: {  	[dreg:$0x5] =	wrdreg $0x9  }
0xb2: {  	_ =	task.clear_ibuf [dreg:s7], $0x6FFFF;
	_ =	strace $0x90000046  }
0xb3: {  	s29 =	simm.s32 $0x9;
	_ =	strace $0x80000048  }
0xb4: {  	_ =	swait.ge [sflag:s29], $0x1  }
0xb5: {  	[sflag:s29] =	ssyncadd.s32 $0xFFFFFFFF  }
0xb6: {  	_ =	strace $0x90000048  }
0xb7: {  	_ =	sfence  }
0xb8: {  	s30 =	sld [smem:$0x0];
	_ =	sdelay $0x2  }
0xb9: {  	s31 =	sshll.u32 s1, $0xD;
	s1 =	sshrl.u32 s1, $0x2  }
0xba: {  	s3 =	sand.u32 $0x4000, s31;
	s1 =	sadd.s32 s1, s30  }
0xbb: {  	s0 =	sor.u32 s3, s0;
	s1 =	sshll.u32 s1, $0x11  }
0xbc: {  	s0 =	sor.u32 s1, s0  }
0xbd: {  	s0 =	sadd.s32 $0x8F2B, s0  }
0xbe: {  	[sflag:s0] =	ssyncadd.remote.s32 $0x1  }
0xbf: {  	_ =	sfence.sel $0xFFFF  }
0xc0: {  	[dreg:$0x0] =	wrdreg $0xFFFFFFFF;
	(pc) =	sbr.abs _section_cstart, $3  }
0xc1: {  	[dreg:$0x1] =	wrdreg $0xFFFFFFFF  }
0xc2: {  	_ =	task.clear_ibuf [dreg:s7], $0x2FFFF;
	_ =	strace $0x9FFFFFFF  }
0xc3: {  	(tm) =	ssettm $0x7FFFFFFF  }
tec
execute0_lowered:
.L_overlay_start_1:
0x0: {  	(tag) =	ssettag $0x1  }
0x1: {  	s5 =	rddreg [dreg:$0x0]  }
0x2: {  	s0 =	srdreg.scid;
	s7 =	rddreg [dreg:$0x1]  }
0x3: {  	s2 =	rddreg [dreg:$0x2];
	s1 =	stileid.u32  }
0x4: {  	s3 =	simm.s32 $0x0;
	s6 =	sand.u32 $0x1, s0;
	s0 =	rddreg [dreg:$0x3]  }
0x5: {  	[smem:$0x7FF] =	sst s3;
	s10 =	smul.u32 $0x13C0, s1  }
0x6: {  	s31 =	sshll.u32 s1, $0x6;
	s4 =	sshll.u32 s6, $0x4;
	_ =	strace $0x80000047  }
0x7: {  	s9 =	ssub.s32 $0x2, s6;
	s12 =	smul.u32 $0x2780, s6;
	s4 =	sor.u32 s1, s4  }
0x8: {  	s11 =	sshrl.u32 s9, $0x1;
	s30 =	sadd.s32 s10, s2;
	s14 =	sshrl.u32 s10, $0x3  }
0x9: {  	s10 =	sor.u32 $0x1C01, s31;
	s4 =	smul.u32 $0x500, s4;
	s9 =	ssub.s32 s9, s11  }
0xa: {  	s13 =	sadd.s32 s7, s12;
	s11 =	sshrl.u32 s30, $0x3;
	s12 =	simm.s32 $0x80  }
0xb: {  	s7 =	smax.u32 s9, $0x1;
	s9 =	simm.s32 $0x2800;
	s13 =	sadd.s32 s14, s13  }
0xc: {  	s14 =	simm.s32 $0x0;
	s8 =	sadd.s32 s4, s5;
	s4 =	sadd.s32 $0xB200, s5  }
0xd: {  	s5 =	sadd.s32 $0xB400, s5;
	s6 =	sadd.s32 $0x1200, s8;
	s8 =	simm.s32 $0x1  }
.LBB2_1:
0xe: {  	[tilespmem:s3], [sflag:$0x1] =	stream.linear.gather [hbm4b:s6+s3], $0x2800, $0x38;
	[tilespmem:$0x3FC0] =	vst v63  }
0xf: {  	_ =	swait.ge [sflag:s8], $0x2800  }
0x10: {  	[sflag:s8] =	ssyncset.done $0x0  }
0x11: {  	[sflag:s8] =	ssyncadd.s32 $0xFFFFD800  }
0x12: {  	[tilespmem:s9], [sflag:$0x1] =	stream.linear.gather [hbm4b:s4+s3], $0x400, $0x38;
	[tilespmem:$0x3FC0] =	vst v63  }
0x13: {  	_ =	swait.ge [sflag:s8], $0x400  }
0x14: {  	[sflag:s8] =	ssyncset.done $0x0  }
0x15: {  	[sflag:s8] =	ssyncadd.s32 $0xFFFFFC00  }
0x16: {  	[spmem:s11], [sflag:s10] =	dma.local [hbm:s5], $0x278  }
0x17: {  	_ =	swait.ge [sflag:s8], $0x278  }
0x18: {  	[sflag:s8] =	ssyncset.done $0x0  }
0x19: {  	[sflag:s8] =	ssyncadd.s32 $0xFFFFFD88  }
0x1a: {  	s15 =	simm.s32 $0x0;
	[bflag:$0x0] =	sbarrier.arrive $0xFFFF  }
0x1b: {  	[spmem:s2] =	stream.indirect.scatter.add.f32 [tilespmem:s9], [sflag:$0x1], $0x8, s15, s12, $0xb8;
	[tilespmem:$0x3FC0] =	vst v63  }
0x1c: {  	_ =	swait.ge [sflag:s8], $0x400  }
0x1d: {  	s15 =	simm.s32 $0x200;
	[sflag:s8] =	ssyncset.done $0x0  }
.LBB2_2:
0x1e: {  	s16 =	sshra.s32 s15, $0x2;
	[sflag:s8] =	ssyncadd.s32 $0xFFFFFC00;
	p0 =	sne.s32 s15, $0x9E00  }
0x1f: {  	[spmem:s2] =	stream.indirect.scatter.add.f32 [tilespmem:s9], [sflag:$0x1], $0x8, s16, s12, $0xb8;
	[tilespmem:$0x3FC0] =	vst v63  }
.Ltmp0:
0x20: {  	_ = 	snop;
	(pc) =	sbr.rel @p0 .LBB2_2-.Ltmp0, $4  }
0x21: {  	_ = 	snop  }
0x22: {  	s15 =	sadd.s32 $0x200, s15  }
0x23: {  	_ =	swait.ge [sflag:s8], $0x400  }
0x24: {  	[sflag:s8] =	ssyncset.done $0x0  }
0x25: {  	s14 =	sadd.s32 $0x1, s14  }
0x26: {  	[sflag:s8] =	ssyncadd.s32 $0xFFFFFC00;
	p0 =	sne.s32 s14, s7  }
.Ltmp1:
0x27: {  	[bflag:$0x0] =	sbarrier.arrive $0xFFFF;
	(pc) =	sbr.rel @p0 .LBB2_1-.Ltmp1, $4  }
0x28: {  	[hbm:s13], [sflag:s10] =	dma.local [spmem:s11], $0x278  }
0x29: {  	_ =	swait.ge [sflag:s8], $0x278  }
0x2a: {  	[sflag:s8] =	ssyncset.done $0x0  }
0x2b: {  	[sflag:s8] =	ssyncadd.s32 $0xFFFFFD88  }
0x2c: {  	_ =	sfence.sel $0x180000  }
0x2d: {  	[bflag:$0x0] =	sbarrier.arrive $0xFFFF  }
0x2e: {  	p0 =	sne.s32 s1, $0x0;
	_ =	strace $0x90000047  }
0x2f: {  	s0 =	sadd.s32 @!p0 $0x100000, s0;
	[bflag:$0x2] =	sbarrier.arrive $0xFFFF  }
0x30: {  	[sflag:s0] =	ssyncadd.tile.s32 @!p0 $0x1;
	_ =	shalt  }
.Lfunc_end2:
_tile_overlayer_lowered:
.L_overlay_start_2:
0x31: {  	(tag) =	ssettag $0x2  }
0x32: {  	s0 =	rddreg [dreg:$0x0];
	s2 =	stileid.u32  }
0x33: {  	s1 =	rddreg [dreg:$0x1];
	p0 =	sne.s32 s2, $0x0  }
0x34: {  	s3 =	rddreg [dreg:$0x2];
	[bflag:$0x3] =	sbarrier.arrive $0xFFFF;
	s2 =	simm.s32 @!p0 $0x1C01  }
0x35: {  	[timem:s3], [sflag:s2] =	dma.local @!p0 [hbm:s0], s1  }
0x36: {  	s0 =	simm.s32 @!p0 $0x1  }
0x37: {  	_ =	swait.ge @!p0 [sflag:s0], s1  }
0x38: {  	s1 =	ssub.s32 @!p0 $0x0, s1;
	[sflag:s0] =	ssyncset.done @!p0 $0x0  }
0x39: {  	[sflag:s0] =	ssyncadd.s32 @!p0 s1  }
0x3a: {  	[bflag:$0x3] =	sbarrier.arrive $0xFFFF  }
0x3b: {  	_ =	shalt  }

</sc_bundles>
